<compile_context>
chip_gen: v7x
topology: tpu7x:2x2x1
jax: 0.10.2.dev20260603
libtpu: 0.0.44.dev20260713+nightly
codegen_flags: <defaults>
</compile_context>

<pallas_src>
import functools

import jax
import jax.numpy as jnp
from jax import lax
from jax.experimental import pallas as pl
from jax.experimental.pallas import tpu as pltpu
from jax.experimental.pallas import tpu_sc as plsc

VOCAB = 1000000
D = 64
DP = 128
BATCH = 4096
SEQ = 200
B = BATCH * SEQ
NC = 2
NS = 16
NW = NC * NS
B_PER_W = B // NW
C = 128
NCH = B_PER_W // C
NSLOT = 8
LOOK = 6


def _make_gather():
    mesh = plsc.VectorSubcoreMesh(core_axis_name="c", subcore_axis_name="s")

    @functools.partial(
        pl.kernel,
        mesh=mesh,
        out_type=jax.ShapeDtypeStruct((B, DP), jnp.float32),
        scratch_types=[
            pltpu.VMEM((NCH, C), jnp.int32),
            pltpu.VMEM((NSLOT, C, D), jnp.float32),
            [pltpu.SemaphoreType.DMA] * NSLOT,
            [pltpu.SemaphoreType.DMA] * NSLOT,
        ],
        compiler_params=pltpu.CompilerParams(use_tc_tiling_on_sc=False),
    )
    def gather_kernel(x_hbm, table_hbm, out_hbm, idx_v, rows_v, gsems, ssems):
        wid = lax.axis_index("s") * NC + lax.axis_index("c")
        base0 = wid * B_PER_W
        pltpu.sync_copy(x_hbm.at[wid], idx_v)

        def gather_chunk(j, slot):
            pltpu.async_copy(
                table_hbm.at[idx_v.at[j]], rows_v.at[slot], gsems[slot]
            )

        def store_copy(j, slot, sem):
            return pltpu.make_async_copy(
                rows_v.at[slot],
                out_hbm.at[pl.ds((base0 + j * C) , C), pl.ds(0, D)],
                sem,
            )

        for j in range(LOOK):
            gather_chunk(j, j % NSLOT)

        def group_body(g, carry):
            for bi in range(NSLOT):
                j = g * NSLOT + bi
                pltpu.make_async_copy(
                    table_hbm.at[idx_v.at[j]], rows_v.at[bi], gsems[bi]
                ).wait()
                store_copy(j, bi, ssems[bi]).start()
                jf = j + LOOK
                sf = (bi + LOOK) % NSLOT

                @pl.when(jf < NCH)
                def _():
                    @pl.when(jf >= NSLOT)
                    def _():
                        store_copy(jf - NSLOT, sf, ssems[sf]).wait()

                    gather_chunk(jf, sf)

            return carry

        lax.fori_loop(0, NCH // NSLOT, group_body, 0)

        for bi in range(NSLOT):
            j = NCH - NSLOT + bi
            store_copy(j, bi, ssems[bi]).wait()

    return gather_kernel


_gather = _make_gather()


def kernel(x, embedding_table):
    idx = x.reshape(NW, NCH, C)
    emb = _gather(idx, embedding_table)[:, :D].reshape(BATCH, SEQ, D)
    return (emb, emb)

# --- scband reference (transcript-rebuilt; emitter-appended) ---
"""Pipeline reference for scband-init-block-31903017075355 (READ-ONLY COPY).

The authoritative reference and input builder live on the scoring server;
editing this copy changes nothing except your own understanding.
"""

import jax, jax.numpy as jnp
import numpy as np

VOCAB = 1000000
D_MODEL = 64
BATCH = 4096
SEQ = 200


def setup_inputs(seed: int = 0) -> dict:
    key = jax.random.key(seed)
    k_idx, k_tab = jax.random.split(key)
    x = jax.random.randint(k_idx, (BATCH, SEQ), 0, VOCAB, dtype=jnp.int32)
    embedding_table = jax.random.normal(k_tab, (VOCAB, D_MODEL), dtype=jnp.float32) * 0.02
    return {"x": x, "embedding_table": embedding_table}


def reference(x, embedding_table):
    # InitBlock.call: x = embedding_layer(x); return (x, x)
    emb = jnp.take(embedding_table, x, axis=0)
    return (emb, emb)

if __name__ == "__main__":
    import jax
    _d = setup_inputs()
    print(jax.jit(kernel)(*tuple(_d.values())))

</pallas_src>

<mosaic_0001>
#map = affine_map<(d0, d1) -> (0, 0, 0)>
#map1 = affine_map<(d0, d1) -> (0, 0)>
module attributes {stable_mosaic.version = 14 : i64} {
  func.func @gather_kernel(%arg0: i32, %arg1: i32, %arg2: memref<32x200x128xi32, #tpu.memory_space<hbm>>, %arg3: memref<1000000x64xf32, #tpu.memory_space<hbm>>, %arg4: memref<819200x128xf32, #tpu.memory_space<hbm>>, %arg5: memref<200x128xi32, #tpu.memory_space<vmem>>, %arg6: memref<8x128x64xf32, #tpu.memory_space<vmem>>, %arg7: memref<!tpu.dma_semaphore, #tpu.memory_space<semaphore_mem>>, %arg8: memref<!tpu.dma_semaphore, #tpu.memory_space<semaphore_mem>>, %arg9: memref<!tpu.dma_semaphore, #tpu.memory_space<semaphore_mem>>, %arg10: memref<!tpu.dma_semaphore, #tpu.memory_space<semaphore_mem>>, %arg11: memref<!tpu.dma_semaphore, #tpu.memory_space<semaphore_mem>>, %arg12: memref<!tpu.dma_semaphore, #tpu.memory_space<semaphore_mem>>, %arg13: memref<!tpu.dma_semaphore, #tpu.memory_space<semaphore_mem>>, %arg14: memref<!tpu.dma_semaphore, #tpu.memory_space<semaphore_mem>>, %arg15: memref<!tpu.dma_semaphore, #tpu.memory_space<semaphore_mem>>, %arg16: memref<!tpu.dma_semaphore, #tpu.memory_space<semaphore_mem>>, %arg17: memref<!tpu.dma_semaphore, #tpu.memory_space<semaphore_mem>>, %arg18: memref<!tpu.dma_semaphore, #tpu.memory_space<semaphore_mem>>, %arg19: memref<!tpu.dma_semaphore, #tpu.memory_space<semaphore_mem>>, %arg20: memref<!tpu.dma_semaphore, #tpu.memory_space<semaphore_mem>>, %arg21: memref<!tpu.dma_semaphore, #tpu.memory_space<semaphore_mem>>, %arg22: memref<!tpu.dma_semaphore, #tpu.memory_space<semaphore_mem>>) attributes {dimension_semantics = [#tpu.dimension_semantics<core_parallel>, #tpu.dimension_semantics<subcore_parallel>], iteration_bounds = array<i64: 2, 16>, scalar_prefetch = 0 : i64, scratch_operands = 18 : i64, tpu.core_type = #tpu.core_type<sc_vector_subcore>, window_params = [{transform_indices = #map}, {transform_indices = #map1}, {transform_indices = #map1}]} {
    %mul3A = arith.constant 2 : i32
    %mul3A_0 = arith.muli %arg1, %mul3A : i32
    %add3A = arith.addi %mul3A_0, %arg0 : i32
    %mul3A_1 = arith.constant 25600 : i32
    %mul3A_2 = arith.muli %add3A, %mul3A_1 : i32
    "tpu.region"() ({
      %run_scoped3A = tpu.sem_alloc : memref<!tpu.dma_semaphore, #tpu.memory_space<semaphore_mem>>
      %dma_start3A_198 = arith.constant 0 : i32
      %dma_start3A_199 = arith.constant 0 : i32
      %dma_start3A_200 = tpu.memref_slice %arg2[%add3A, %dma_start3A_198, %dma_start3A_199] : memref<32x200x128xi32, #tpu.memory_space<hbm>> -> memref<1x200x128xi32, #tpu.memory_space<hbm>>
      %dma_start3A_201 = tpu.memref_squeeze %dma_start3A_200 : memref<1x200x128xi32, #tpu.memory_space<hbm>> -> memref<200x128xi32, #tpu.memory_space<hbm>>
      %dma_start3A_202 = arith.constant 0 : i32
      %dma_start3A_203 = arith.constant 0 : i32
      %dma_start3A_204 = tpu.memref_slice %arg2[%add3A, %dma_start3A_202, %dma_start3A_203] : memref<32x200x128xi32, #tpu.memory_space<hbm>> -> memref<1x200x128xi32, #tpu.memory_space<hbm>>
      %dma_start3A_205 = tpu.memref_squeeze %dma_start3A_204 : memref<1x200x128xi32, #tpu.memory_space<hbm>> -> memref<200x128xi32, #tpu.memory_space<hbm>>
      tpu.enqueue_dma source(%dma_start3A_205 : memref<200x128xi32, #tpu.memory_space<hbm>>) target(%arg5 : memref<200x128xi32, #tpu.memory_space<vmem>>) target_semaphore(%run_scoped3A : memref<!tpu.dma_semaphore, #tpu.memory_space<semaphore_mem>>)
      %dma_wait3A_206 = arith.constant 0 : i32
      %dma_wait3A_207 = arith.constant 0 : i32
      %dma_wait3A_208 = tpu.memref_slice %arg2[%add3A, %dma_wait3A_206, %dma_wait3A_207] : memref<32x200x128xi32, #tpu.memory_space<hbm>> -> memref<1x200x128xi32, #tpu.memory_space<hbm>>
      %dma_wait3A_209 = tpu.memref_squeeze %dma_wait3A_208 : memref<1x200x128xi32, #tpu.memory_space<hbm>> -> memref<200x128xi32, #tpu.memory_space<hbm>>
      %dma_wait3A_210 = arith.constant 0 : i32
      %dma_wait3A_211 = arith.constant 0 : i32
      %dma_wait3A_212 = tpu.memref_slice %arg2[%add3A, %dma_wait3A_210, %dma_wait3A_211] : memref<32x200x128xi32, #tpu.memory_space<hbm>> -> memref<1x200x128xi32, #tpu.memory_space<hbm>>
      %dma_wait3A_213 = tpu.memref_squeeze %dma_wait3A_212 : memref<1x200x128xi32, #tpu.memory_space<hbm>> -> memref<200x128xi32, #tpu.memory_space<hbm>>
      tpu.wait_dma2 semaphore(%run_scoped3A : memref<!tpu.dma_semaphore, #tpu.memory_space<semaphore_mem>>) src(%dma_wait3A_213 : memref<200x128xi32, #tpu.memory_space<hbm>>) dst(%arg5 : memref<200x128xi32, #tpu.memory_space<vmem>>)
      tpu.yield
    }) : () -> ()
    %dma_start3A = arith.constant 0 : i32
    %dma_start3A_3 = arith.constant 0 : i32
    %dma_start3A_4 = arith.constant 0 : i32
    %dma_start3A_5 = arith.constant 0 : i32
    %dma_start3A_6 = tpu.memref_slice %arg6[%dma_start3A_3, %dma_start3A_4, %dma_start3A_5] : memref<8x128x64xf32, #tpu.memory_space<vmem>> -> memref<1x128x64xf32, #tpu.memory_space<vmem>>
    %dma_start3A_7 = tpu.memref_squeeze %dma_start3A_6 : memref<1x128x64xf32, #tpu.memory_space<vmem>> -> memref<128x64xf32, #tpu.memory_space<vmem>>
    %dma_start3A_8 = arith.constant 0 : i32
    %dma_start3A_9 = tpu.memref_slice %arg5[%dma_start3A, %dma_start3A_8] : memref<200x128xi32, #tpu.memory_space<vmem>> -> memref<1x128xi32, #tpu.memory_space<vmem>>
    %dma_start3A_10 = tpu.memref_squeeze %dma_start3A_9 : memref<1x128xi32, #tpu.memory_space<vmem>> -> memref<128xi32, #tpu.memory_space<vmem>>
    %dma_start3A_11 = arith.constant 0 : i32
    %dma_start3A_12 = arith.constant 0 : i32
    %dma_start3A_13 = tpu.memref_slice %arg3[%dma_start3A_11, %dma_start3A_12] : memref<1000000x64xf32, #tpu.memory_space<hbm>> -> memref<1000000x64xf32, #tpu.memory_space<hbm>>
    tpu.enqueue_indirect_dma source(%dma_start3A_13 : memref<1000000x64xf32, #tpu.memory_space<hbm>>) target(%dma_start3A_7 : memref<128x64xf32, #tpu.memory_space<vmem>>) offsets(%dma_start3A_10 : memref<128xi32, #tpu.memory_space<vmem>>) semaphore(%arg7 : memref<!tpu.dma_semaphore, #tpu.memory_space<semaphore_mem>>)
    %dma_start3A_14 = arith.constant 1 : i32
    %dma_start3A_15 = arith.constant 1 : i32
    %dma_start3A_16 = arith.constant 0 : i32
    %dma_start3A_17 = arith.constant 0 : i32
    %dma_start3A_18 = tpu.memref_slice %arg6[%dma_start3A_15, %dma_start3A_16, %dma_start3A_17] : memref<8x128x64xf32, #tpu.memory_space<vmem>> -> memref<1x128x64xf32, #tpu.memory_space<vmem>>
    %dma_start3A_19 = tpu.memref_squeeze %dma_start3A_18 : memref<1x128x64xf32, #tpu.memory_space<vmem>> -> memref<128x64xf32, #tpu.memory_space<vmem>>
    %dma_start3A_20 = arith.constant 0 : i32
    %dma_start3A_21 = tpu.memref_slice %arg5[%dma_start3A_14, %dma_start3A_20] : memref<200x128xi32, #tpu.memory_space<vmem>> -> memref<1x128xi32, #tpu.memory_space<vmem>>
    %dma_start3A_22 = tpu.memref_squeeze %dma_start3A_21 : memref<1x128xi32, #tpu.memory_space<vmem>> -> memref<128xi32, #tpu.memory_space<vmem>>
    %dma_start3A_23 = arith.constant 0 : i32
    %dma_start3A_24 = arith.constant 0 : i32
    %dma_start3A_25 = tpu.memref_slice %arg3[%dma_start3A_23, %dma_start3A_24] : memref<1000000x64xf32, #tpu.memory_space<hbm>> -> memref<1000000x64xf32, #tpu.memory_space<hbm>>
    tpu.enqueue_indirect_dma source(%dma_start3A_25 : memref<1000000x64xf32, #tpu.memory_space<hbm>>) target(%dma_start3A_19 : memref<128x64xf32, #tpu.memory_space<vmem>>) offsets(%dma_start3A_22 : memref<128xi32, #tpu.memory_space<vmem>>) semaphore(%arg8 : memref<!tpu.dma_semaphore, #tpu.memory_space<semaphore_mem>>)
    %dma_start3A_26 = arith.constant 2 : i32
    %dma_start3A_27 = arith.constant 2 : i32
    %dma_start3A_28 = arith.constant 0 : i32
    %dma_start3A_29 = arith.constant 0 : i32
    %dma_start3A_30 = tpu.memref_slice %arg6[%dma_start3A_27, %dma_start3A_28, %dma_start3A_29] : memref<8x128x64xf32, #tpu.memory_space<vmem>> -> memref<1x128x64xf32, #tpu.memory_space<vmem>>
    %dma_start3A_31 = tpu.memref_squeeze %dma_start3A_30 : memref<1x128x64xf32, #tpu.memory_space<vmem>> -> memref<128x64xf32, #tpu.memory_space<vmem>>
    %dma_start3A_32 = arith.constant 0 : i32
    %dma_start3A_33 = tpu.memref_slice %arg5[%dma_start3A_26, %dma_start3A_32] : memref<200x128xi32, #tpu.memory_space<vmem>> -> memref<1x128xi32, #tpu.memory_space<vmem>>
    %dma_start3A_34 = tpu.memref_squeeze %dma_start3A_33 : memref<1x128xi32, #tpu.memory_space<vmem>> -> memref<128xi32, #tpu.memory_space<vmem>>
    %dma_start3A_35 = arith.constant 0 : i32
    %dma_start3A_36 = arith.constant 0 : i32
    %dma_start3A_37 = tpu.memref_slice %arg3[%dma_start3A_35, %dma_start3A_36] : memref<1000000x64xf32, #tpu.memory_space<hbm>> -> memref<1000000x64xf32, #tpu.memory_space<hbm>>
    tpu.enqueue_indirect_dma source(%dma_start3A_37 : memref<1000000x64xf32, #tpu.memory_space<hbm>>) target(%dma_start3A_31 : memref<128x64xf32, #tpu.memory_space<vmem>>) offsets(%dma_start3A_34 : memref<128xi32, #tpu.memory_space<vmem>>) semaphore(%arg9 : memref<!tpu.dma_semaphore, #tpu.memory_space<semaphore_mem>>)
    %dma_start3A_38 = arith.constant 3 : i32
    %dma_start3A_39 = arith.constant 3 : i32
    %dma_start3A_40 = arith.constant 0 : i32
    %dma_start3A_41 = arith.constant 0 : i32
    %dma_start3A_42 = tpu.memref_slice %arg6[%dma_start3A_39, %dma_start3A_40, %dma_start3A_41] : memref<8x128x64xf32, #tpu.memory_space<vmem>> -> memref<1x128x64xf32, #tpu.memory_space<vmem>>
    %dma_start3A_43 = tpu.memref_squeeze %dma_start3A_42 : memref<1x128x64xf32, #tpu.memory_space<vmem>> -> memref<128x64xf32, #tpu.memory_space<vmem>>
    %dma_start3A_44 = arith.constant 0 : i32
    %dma_start3A_45 = tpu.memref_slice %arg5[%dma_start3A_38, %dma_start3A_44] : memref<200x128xi32, #tpu.memory_space<vmem>> -> memref<1x128xi32, #tpu.memory_space<vmem>>
    %dma_start3A_46 = tpu.memref_squeeze %dma_start3A_45 : memref<1x128xi32, #tpu.memory_space<vmem>> -> memref<128xi32, #tpu.memory_space<vmem>>
    %dma_start3A_47 = arith.constant 0 : i32
    %dma_start3A_48 = arith.constant 0 : i32
    %dma_start3A_49 = tpu.memref_slice %arg3[%dma_start3A_47, %dma_start3A_48] : memref<1000000x64xf32, #tpu.memory_space<hbm>> -> memref<1000000x64xf32, #tpu.memory_space<hbm>>
    tpu.enqueue_indirect_dma source(%dma_start3A_49 : memref<1000000x64xf32, #tpu.memory_space<hbm>>) target(%dma_start3A_43 : memref<128x64xf32, #tpu.memory_space<vmem>>) offsets(%dma_start3A_46 : memref<128xi32, #tpu.memory_space<vmem>>) semaphore(%arg10 : memref<!tpu.dma_semaphore, #tpu.memory_space<semaphore_mem>>)
    %dma_start3A_50 = arith.constant 4 : i32
    %dma_start3A_51 = arith.constant 4 : i32
    %dma_start3A_52 = arith.constant 0 : i32
    %dma_start3A_53 = arith.constant 0 : i32
    %dma_start3A_54 = tpu.memref_slice %arg6[%dma_start3A_51, %dma_start3A_52, %dma_start3A_53] : memref<8x128x64xf32, #tpu.memory_space<vmem>> -> memref<1x128x64xf32, #tpu.memory_space<vmem>>
    %dma_start3A_55 = tpu.memref_squeeze %dma_start3A_54 : memref<1x128x64xf32, #tpu.memory_space<vmem>> -> memref<128x64xf32, #tpu.memory_space<vmem>>
    %dma_start3A_56 = arith.constant 0 : i32
    %dma_start3A_57 = tpu.memref_slice %arg5[%dma_start3A_50, %dma_start3A_56] : memref<200x128xi32, #tpu.memory_space<vmem>> -> memref<1x128xi32, #tpu.memory_space<vmem>>
    %dma_start3A_58 = tpu.memref_squeeze %dma_start3A_57 : memref<1x128xi32, #tpu.memory_space<vmem>> -> memref<128xi32, #tpu.memory_space<vmem>>
    %dma_start3A_59 = arith.constant 0 : i32
    %dma_start3A_60 = arith.constant 0 : i32
    %dma_start3A_61 = tpu.memref_slice %arg3[%dma_start3A_59, %dma_start3A_60] : memref<1000000x64xf32, #tpu.memory_space<hbm>> -> memref<1000000x64xf32, #tpu.memory_space<hbm>>
    tpu.enqueue_indirect_dma source(%dma_start3A_61 : memref<1000000x64xf32, #tpu.memory_space<hbm>>) target(%dma_start3A_55 : memref<128x64xf32, #tpu.memory_space<vmem>>) offsets(%dma_start3A_58 : memref<128xi32, #tpu.memory_space<vmem>>) semaphore(%arg11 : memref<!tpu.dma_semaphore, #tpu.memory_space<semaphore_mem>>)
    %dma_start3A_62 = arith.constant 5 : i32
    %dma_start3A_63 = arith.constant 5 : i32
    %dma_start3A_64 = arith.constant 0 : i32
    %dma_start3A_65 = arith.constant 0 : i32
    %dma_start3A_66 = tpu.memref_slice %arg6[%dma_start3A_63, %dma_start3A_64, %dma_start3A_65] : memref<8x128x64xf32, #tpu.memory_space<vmem>> -> memref<1x128x64xf32, #tpu.memory_space<vmem>>
    %dma_start3A_67 = tpu.memref_squeeze %dma_start3A_66 : memref<1x128x64xf32, #tpu.memory_space<vmem>> -> memref<128x64xf32, #tpu.memory_space<vmem>>
    %dma_start3A_68 = arith.constant 0 : i32
    %dma_start3A_69 = tpu.memref_slice %arg5[%dma_start3A_62, %dma_start3A_68] : memref<200x128xi32, #tpu.memory_space<vmem>> -> memref<1x128xi32, #tpu.memory_space<vmem>>
    %dma_start3A_70 = tpu.memref_squeeze %dma_start3A_69 : memref<1x128xi32, #tpu.memory_space<vmem>> -> memref<128xi32, #tpu.memory_space<vmem>>
    %dma_start3A_71 = arith.constant 0 : i32
    %dma_start3A_72 = arith.constant 0 : i32
    %dma_start3A_73 = tpu.memref_slice %arg3[%dma_start3A_71, %dma_start3A_72] : memref<1000000x64xf32, #tpu.memory_space<hbm>> -> memref<1000000x64xf32, #tpu.memory_space<hbm>>
    tpu.enqueue_indirect_dma source(%dma_start3A_73 : memref<1000000x64xf32, #tpu.memory_space<hbm>>) target(%dma_start3A_67 : memref<128x64xf32, #tpu.memory_space<vmem>>) offsets(%dma_start3A_70 : memref<128xi32, #tpu.memory_space<vmem>>) semaphore(%arg12 : memref<!tpu.dma_semaphore, #tpu.memory_space<semaphore_mem>>)
    %scan3A = arith.constant 0 : i32
    %scan3A_74 = arith.constant 0 : i32
    %scan3A_75 = arith.constant 25 : i32
    %scan3A_76 = arith.addi %scan3A_74, %scan3A_75 : i32
    %scan3A_77 = arith.constant 1 : i32
    scf.for %scan3A_198 = %scan3A_74 to %scan3A_76 step %scan3A_77  : i32 {
      %mul3A_199 = arith.constant 8 : i32
      %mul3A_200 = arith.muli %scan3A_198, %mul3A_199 : i32
      %add3A_201 = arith.constant 0 : i32
      %add3A_202 = arith.addi %mul3A_200, %add3A_201 : i32
      %dma_wait3A_203 = arith.constant 0 : i32
      %dma_wait3A_204 = arith.constant 0 : i32
      %dma_wait3A_205 = arith.constant 0 : i32
      %dma_wait3A_206 = tpu.memref_slice %arg6[%dma_wait3A_203, %dma_wait3A_204, %dma_wait3A_205] : memref<8x128x64xf32, #tpu.memory_space<vmem>> -> memref<1x128x64xf32, #tpu.memory_space<vmem>>
      %dma_wait3A_207 = tpu.memref_squeeze %dma_wait3A_206 : memref<1x128x64xf32, #tpu.memory_space<vmem>> -> memref<128x64xf32, #tpu.memory_space<vmem>>
      %dma_wait3A_208 = arith.constant 0 : i32
      %dma_wait3A_209 = tpu.memref_slice %arg5[%add3A_202, %dma_wait3A_208] : memref<200x128xi32, #tpu.memory_space<vmem>> -> memref<1x128xi32, #tpu.memory_space<vmem>>
      %dma_wait3A_210 = tpu.memref_squeeze %dma_wait3A_209 : memref<1x128xi32, #tpu.memory_space<vmem>> -> memref<128xi32, #tpu.memory_space<vmem>>
      %dma_wait3A_211 = arith.constant 0 : i32
      %dma_wait3A_212 = arith.constant 0 : i32
      %dma_wait3A_213 = tpu.memref_slice %arg3[%dma_wait3A_211, %dma_wait3A_212] : memref<1000000x64xf32, #tpu.memory_space<hbm>> -> memref<1000000x64xf32, #tpu.memory_space<hbm>>
      tpu.wait_indirect_dma semaphore(%arg7 : memref<!tpu.dma_semaphore, #tpu.memory_space<semaphore_mem>>) src(%dma_wait3A_213 : memref<1000000x64xf32, #tpu.memory_space<hbm>>) dst(%dma_wait3A_207 : memref<128x64xf32, #tpu.memory_space<vmem>>)
      %mul3A_214 = arith.constant 128 : i32
      %mul3A_215 = arith.muli %add3A_202, %mul3A_214 : i32
      %add3A_216 = arith.addi %mul3A_2, %mul3A_215 : i32
      %dma_start3A_217 = arith.constant 0 : i32
      %dma_start3A_218 = arith.constant 0 : i32
      %dma_start3A_219 = arith.constant 0 : i32
      %dma_start3A_220 = tpu.memref_slice %arg6[%dma_start3A_217, %dma_start3A_218, %dma_start3A_219] : memref<8x128x64xf32, #tpu.memory_space<vmem>> -> memref<1x128x64xf32, #tpu.memory_space<vmem>>
      %dma_start3A_221 = tpu.memref_squeeze %dma_start3A_220 : memref<1x128x64xf32, #tpu.memory_space<vmem>> -> memref<128x64xf32, #tpu.memory_space<vmem>>
      %dma_start3A_222 = arith.constant 0 : i32
      %dma_start3A_223 = tpu.memref_slice %arg4[%add3A_216, %dma_start3A_222] : memref<819200x128xf32, #tpu.memory_space<hbm>> -> memref<128x64xf32, #tpu.memory_space<hbm>>
      %dma_start3A_224 = arith.constant 0 : i32
      %dma_start3A_225 = tpu.memref_slice %arg4[%add3A_216, %dma_start3A_224] : memref<819200x128xf32, #tpu.memory_space<hbm>> -> memref<128x64xf32, #tpu.memory_space<hbm>>
      %dma_start3A_226 = arith.constant 0 : i32
      %dma_start3A_227 = arith.constant 0 : i32
      %dma_start3A_228 = tpu.memref_slice %arg6[%dma_start3A_217, %dma_start3A_226, %dma_start3A_227] : memref<8x128x64xf32, #tpu.memory_space<vmem>> -> memref<1x128x64xf32, #tpu.memory_space<vmem>>
      %dma_start3A_229 = tpu.memref_squeeze %dma_start3A_228 : memref<1x128x64xf32, #tpu.memory_space<vmem>> -> memref<128x64xf32, #tpu.memory_space<vmem>>
      tpu.enqueue_dma source(%dma_start3A_229 : memref<128x64xf32, #tpu.memory_space<vmem>>) target(%dma_start3A_225 : memref<128x64xf32, #tpu.memory_space<hbm>>) target_semaphore(%arg15 : memref<!tpu.dma_semaphore, #tpu.memory_space<semaphore_mem>>)
      %add3A_230 = arith.constant 6 : i32
      %add3A_231 = arith.addi %add3A_202, %add3A_230 : i32
      %lt3A = arith.constant 200 : i32
      %lt3A_232 = arith.cmpi slt, %add3A_231, %lt3A : i32
      %convert_element_type3A = arith.extui %lt3A_232 : i1 to i32
      %cond3A = arith.constant 0 : i32
      %cond3A_233 = arith.cmpi ne, %convert_element_type3A, %cond3A : i32
      scf.if %cond3A_233 {
        %ge3A = arith.constant 8 : i32
        %ge3A_500 = arith.cmpi sge, %add3A_231, %ge3A : i32
        %convert_element_type3A_501 = arith.extui %ge3A_500 : i1 to i32
        %cond3A_502 = arith.constant 0 : i32
        %cond3A_503 = arith.cmpi ne, %convert_element_type3A_501, %cond3A_502 : i32
        scf.if %cond3A_503 {
          %sub3A = arith.constant 8 : i32
          %sub3A_515 = arith.subi %add3A_231, %sub3A : i32
          %mul3A_516 = arith.constant 128 : i32
          %mul3A_517 = arith.muli %sub3A_515, %mul3A_516 : i32
          %add3A_518 = arith.addi %mul3A_2, %mul3A_517 : i32
          %dma_wait3A_519 = arith.constant 6 : i32
          %dma_wait3A_520 = arith.constant 0 : i32
          %dma_wait3A_521 = arith.constant 0 : i32
          %dma_wait3A_522 = tpu.memref_slice %arg6[%dma_wait3A_519, %dma_wait3A_520, %dma_wait3A_521] : memref<8x128x64xf32, #tpu.memory_space<vmem>> -> memref<1x128x64xf32, #tpu.memory_space<vmem>>
          %dma_wait3A_523 = tpu.memref_squeeze %dma_wait3A_522 : memref<1x128x64xf32, #tpu.memory_space<vmem>> -> memref<128x64xf32, #tpu.memory_space<vmem>>
          %dma_wait3A_524 = arith.constant 0 : i32
          %dma_wait3A_525 = tpu.memref_slice %arg4[%add3A_518, %dma_wait3A_524] : memref<819200x128xf32, #tpu.memory_space<hbm>> -> memref<128x64xf32, #tpu.memory_space<hbm>>
          %dma_wait3A_526 = arith.constant 0 : i32
          %dma_wait3A_527 = tpu.memref_slice %arg4[%add3A_518, %dma_wait3A_526] : memref<819200x128xf32, #tpu.memory_space<hbm>> -> memref<128x64xf32, #tpu.memory_space<hbm>>
          %dma_wait3A_528 = arith.constant 0 : i32
          %dma_wait3A_529 = arith.constant 0 : i32
          %dma_wait3A_530 = tpu.memref_slice %arg6[%dma_wait3A_519, %dma_wait3A_528, %dma_wait3A_529] : memref<8x128x64xf32, #tpu.memory_space<vmem>> -> memref<1x128x64xf32, #tpu.memory_space<vmem>>
          %dma_wait3A_531 = tpu.memref_squeeze %dma_wait3A_530 : memref<1x128x64xf32, #tpu.memory_space<vmem>> -> memref<128x64xf32, #tpu.memory_space<vmem>>
          tpu.wait_dma2 semaphore(%arg21 : memref<!tpu.dma_semaphore, #tpu.memory_space<semaphore_mem>>) src(%dma_wait3A_531 : memref<128x64xf32, #tpu.memory_space<vmem>>) dst(%dma_wait3A_527 : memref<128x64xf32, #tpu.memory_space<hbm>>)
        } else {
        }
        %dma_start3A_504 = arith.constant 6 : i32
        %dma_start3A_505 = arith.constant 0 : i32
        %dma_start3A_506 = arith.constant 0 : i32
        %dma_start3A_507 = tpu.memref_slice %arg6[%dma_start3A_504, %dma_start3A_505, %dma_start3A_506] : memref<8x128x64xf32, #tpu.memory_space<vmem>> -> memref<1x128x64xf32, #tpu.memory_space<vmem>>
        %dma_start3A_508 = tpu.memref_squeeze %dma_start3A_507 : memref<1x128x64xf32, #tpu.memory_space<vmem>> -> memref<128x64xf32, #tpu.memory_space<vmem>>
        %dma_start3A_509 = arith.constant 0 : i32
        %dma_start3A_510 = tpu.memref_slice %arg5[%add3A_231, %dma_start3A_509] : memref<200x128xi32, #tpu.memory_space<vmem>> -> memref<1x128xi32, #tpu.memory_space<vmem>>
        %dma_start3A_511 = tpu.memref_squeeze %dma_start3A_510 : memref<1x128xi32, #tpu.memory_space<vmem>> -> memref<128xi32, #tpu.memory_space<vmem>>
        %dma_start3A_512 = arith.constant 0 : i32
        %dma_start3A_513 = arith.constant 0 : i32
        %dma_start3A_514 = tpu.memref_slice %arg3[%dma_start3A_512, %dma_start3A_513] : memref<1000000x64xf32, #tpu.memory_space<hbm>> -> memref<1000000x64xf32, #tpu.memory_space<hbm>>
        tpu.enqueue_indirect_dma source(%dma_start3A_514 : memref<1000000x64xf32, #tpu.memory_space<hbm>>) target(%dma_start3A_508 : memref<128x64xf32, #tpu.memory_space<vmem>>) offsets(%dma_start3A_511 : memref<128xi32, #tpu.memory_space<vmem>>) semaphore(%arg13 : memref<!tpu.dma_semaphore, #tpu.memory_space<semaphore_mem>>)
      } else {
      }
      %mul3A_234 = arith.constant 8 : i32
      %mul3A_235 = arith.muli %scan3A_198, %mul3A_234 : i32
      %add3A_236 = arith.constant 1 : i32
      %add3A_237 = arith.addi %mul3A_235, %add3A_236 : i32
      %dma_wait3A_238 = arith.constant 1 : i32
      %dma_wait3A_239 = arith.constant 0 : i32
      %dma_wait3A_240 = arith.constant 0 : i32
      %dma_wait3A_241 = tpu.memref_slice %arg6[%dma_wait3A_238, %dma_wait3A_239, %dma_wait3A_240] : memref<8x128x64xf32, #tpu.memory_space<vmem>> -> memref<1x128x64xf32, #tpu.memory_space<vmem>>
      %dma_wait3A_242 = tpu.memref_squeeze %dma_wait3A_241 : memref<1x128x64xf32, #tpu.memory_space<vmem>> -> memref<128x64xf32, #tpu.memory_space<vmem>>
      %dma_wait3A_243 = arith.constant 0 : i32
      %dma_wait3A_244 = tpu.memref_slice %arg5[%add3A_237, %dma_wait3A_243] : memref<200x128xi32, #tpu.memory_space<vmem>> -> memref<1x128xi32, #tpu.memory_space<vmem>>
      %dma_wait3A_245 = tpu.memref_squeeze %dma_wait3A_244 : memref<1x128xi32, #tpu.memory_space<vmem>> -> memref<128xi32, #tpu.memory_space<vmem>>
      %dma_wait3A_246 = arith.constant 0 : i32
      %dma_wait3A_247 = arith.constant 0 : i32
      %dma_wait3A_248 = tpu.memref_slice %arg3[%dma_wait3A_246, %dma_wait3A_247] : memref<1000000x64xf32, #tpu.memory_space<hbm>> -> memref<1000000x64xf32, #tpu.memory_space<hbm>>
      tpu.wait_indirect_dma semaphore(%arg8 : memref<!tpu.dma_semaphore, #tpu.memory_space<semaphore_mem>>) src(%dma_wait3A_248 : memref<1000000x64xf32, #tpu.memory_space<hbm>>) dst(%dma_wait3A_242 : memref<128x64xf32, #tpu.memory_space<vmem>>)
      %mul3A_249 = arith.constant 128 : i32
      %mul3A_250 = arith.muli %add3A_237, %mul3A_249 : i32
      %add3A_251 = arith.addi %mul3A_2, %mul3A_250 : i32
      %dma_start3A_252 = arith.constant 1 : i32
      %dma_start3A_253 = arith.constant 0 : i32
      %dma_start3A_254 = arith.constant 0 : i32
      %dma_start3A_255 = tpu.memref_slice %arg6[%dma_start3A_252, %dma_start3A_253, %dma_start3A_254] : memref<8x128x64xf32, #tpu.memory_space<vmem>> -> memref<1x128x64xf32, #tpu.memory_space<vmem>>
      %dma_start3A_256 = tpu.memref_squeeze %dma_start3A_255 : memref<1x128x64xf32, #tpu.memory_space<vmem>> -> memref<128x64xf32, #tpu.memory_space<vmem>>
      %dma_start3A_257 = arith.constant 0 : i32
      %dma_start3A_258 = tpu.memref_slice %arg4[%add3A_251, %dma_start3A_257] : memref<819200x128xf32, #tpu.memory_space<hbm>> -> memref<128x64xf32, #tpu.memory_space<hbm>>
      %dma_start3A_259 = arith.constant 0 : i32
      %dma_start3A_260 = tpu.memref_slice %arg4[%add3A_251, %dma_start3A_259] : memref<819200x128xf32, #tpu.memory_space<hbm>> -> memref<128x64xf32, #tpu.memory_space<hbm>>
      %dma_start3A_261 = arith.constant 0 : i32
      %dma_start3A_262 = arith.constant 0 : i32
      %dma_start3A_263 = tpu.memref_slice %arg6[%dma_start3A_252, %dma_start3A_261, %dma_start3A_262] : memref<8x128x64xf32, #tpu.memory_space<vmem>> -> memref<1x128x64xf32, #tpu.memory_space<vmem>>
      %dma_start3A_264 = tpu.memref_squeeze %dma_start3A_263 : memref<1x128x64xf32, #tpu.memory_space<vmem>> -> memref<128x64xf32, #tpu.memory_space<vmem>>
      tpu.enqueue_dma source(%dma_start3A_264 : memref<128x64xf32, #tpu.memory_space<vmem>>) target(%dma_start3A_260 : memref<128x64xf32, #tpu.memory_space<hbm>>) target_semaphore(%arg16 : memref<!tpu.dma_semaphore, #tpu.memory_space<semaphore_mem>>)
      %add3A_265 = arith.constant 6 : i32
      %add3A_266 = arith.addi %add3A_237, %add3A_265 : i32
      %lt3A_267 = arith.constant 200 : i32
      %lt3A_268 = arith.cmpi slt, %add3A_266, %lt3A_267 : i32
      %convert_element_type3A_269 = arith.extui %lt3A_268 : i1 to i32
      %cond3A_270 = arith.constant 0 : i32
      %cond3A_271 = arith.cmpi ne, %convert_element_type3A_269, %cond3A_270 : i32
      scf.if %cond3A_271 {
        %ge3A = arith.constant 8 : i32
        %ge3A_500 = arith.cmpi sge, %add3A_266, %ge3A : i32
        %convert_element_type3A_501 = arith.extui %ge3A_500 : i1 to i32
        %cond3A_502 = arith.constant 0 : i32
        %cond3A_503 = arith.cmpi ne, %convert_element_type3A_501, %cond3A_502 : i32
        scf.if %cond3A_503 {
          %sub3A = arith.constant 8 : i32
          %sub3A_515 = arith.subi %add3A_266, %sub3A : i32
          %mul3A_516 = arith.constant 128 : i32
          %mul3A_517 = arith.muli %sub3A_515, %mul3A_516 : i32
          %add3A_518 = arith.addi %mul3A_2, %mul3A_517 : i32
          %dma_wait3A_519 = arith.constant 7 : i32
          %dma_wait3A_520 = arith.constant 0 : i32
          %dma_wait3A_521 = arith.constant 0 : i32
          %dma_wait3A_522 = tpu.memref_slice %arg6[%dma_wait3A_519, %dma_wait3A_520, %dma_wait3A_521] : memref<8x128x64xf32, #tpu.memory_space<vmem>> -> memref<1x128x64xf32, #tpu.memory_space<vmem>>
          %dma_wait3A_523 = tpu.memref_squeeze %dma_wait3A_522 : memref<1x128x64xf32, #tpu.memory_space<vmem>> -> memref<128x64xf32, #tpu.memory_space<vmem>>
          %dma_wait3A_524 = arith.constant 0 : i32
          %dma_wait3A_525 = tpu.memref_slice %arg4[%add3A_518, %dma_wait3A_524] : memref<819200x128xf32, #tpu.memory_space<hbm>> -> memref<128x64xf32, #tpu.memory_space<hbm>>
          %dma_wait3A_526 = arith.constant 0 : i32
          %dma_wait3A_527 = tpu.memref_slice %arg4[%add3A_518, %dma_wait3A_526] : memref<819200x128xf32, #tpu.memory_space<hbm>> -> memref<128x64xf32, #tpu.memory_space<hbm>>
          %dma_wait3A_528 = arith.constant 0 : i32
          %dma_wait3A_529 = arith.constant 0 : i32
          %dma_wait3A_530 = tpu.memref_slice %arg6[%dma_wait3A_519, %dma_wait3A_528, %dma_wait3A_529] : memref<8x128x64xf32, #tpu.memory_space<vmem>> -> memref<1x128x64xf32, #tpu.memory_space<vmem>>
          %dma_wait3A_531 = tpu.memref_squeeze %dma_wait3A_530 : memref<1x128x64xf32, #tpu.memory_space<vmem>> -> memref<128x64xf32, #tpu.memory_space<vmem>>
          tpu.wait_dma2 semaphore(%arg22 : memref<!tpu.dma_semaphore, #tpu.memory_space<semaphore_mem>>) src(%dma_wait3A_531 : memref<128x64xf32, #tpu.memory_space<vmem>>) dst(%dma_wait3A_527 : memref<128x64xf32, #tpu.memory_space<hbm>>)
        } else {
        }
        %dma_start3A_504 = arith.constant 7 : i32
        %dma_start3A_505 = arith.constant 0 : i32
        %dma_start3A_506 = arith.constant 0 : i32
        %dma_start3A_507 = tpu.memref_slice %arg6[%dma_start3A_504, %dma_start3A_505, %dma_start3A_506] : memref<8x128x64xf32, #tpu.memory_space<vmem>> -> memref<1x128x64xf32, #tpu.memory_space<vmem>>
        %dma_start3A_508 = tpu.memref_squeeze %dma_start3A_507 : memref<1x128x64xf32, #tpu.memory_space<vmem>> -> memref<128x64xf32, #tpu.memory_space<vmem>>
        %dma_start3A_509 = arith.constant 0 : i32
        %dma_start3A_510 = tpu.memref_slice %arg5[%add3A_266, %dma_start3A_509] : memref<200x128xi32, #tpu.memory_space<vmem>> -> memref<1x128xi32, #tpu.memory_space<vmem>>
        %dma_start3A_511 = tpu.memref_squeeze %dma_start3A_510 : memref<1x128xi32, #tpu.memory_space<vmem>> -> memref<128xi32, #tpu.memory_space<vmem>>
        %dma_start3A_512 = arith.constant 0 : i32
        %dma_start3A_513 = arith.constant 0 : i32
        %dma_start3A_514 = tpu.memref_slice %arg3[%dma_start3A_512, %dma_start3A_513] : memref<1000000x64xf32, #tpu.memory_space<hbm>> -> memref<1000000x64xf32, #tpu.memory_space<hbm>>
        tpu.enqueue_indirect_dma source(%dma_start3A_514 : memref<1000000x64xf32, #tpu.memory_space<hbm>>) target(%dma_start3A_508 : memref<128x64xf32, #tpu.memory_space<vmem>>) offsets(%dma_start3A_511 : memref<128xi32, #tpu.memory_space<vmem>>) semaphore(%arg14 : memref<!tpu.dma_semaphore, #tpu.memory_space<semaphore_mem>>)
      } else {
      }
      %mul3A_272 = arith.constant 8 : i32
      %mul3A_273 = arith.muli %scan3A_198, %mul3A_272 : i32
      %add3A_274 = arith.constant 2 : i32
      %add3A_275 = arith.addi %mul3A_273, %add3A_274 : i32
      %dma_wait3A_276 = arith.constant 2 : i32
      %dma_wait3A_277 = arith.constant 0 : i32
      %dma_wait3A_278 = arith.constant 0 : i32
      %dma_wait3A_279 = tpu.memref_slice %arg6[%dma_wait3A_276, %dma_wait3A_277, %dma_wait3A_278] : memref<8x128x64xf32, #tpu.memory_space<vmem>> -> memref<1x128x64xf32, #tpu.memory_space<vmem>>
      %dma_wait3A_280 = tpu.memref_squeeze %dma_wait3A_279 : memref<1x128x64xf32, #tpu.memory_space<vmem>> -> memref<128x64xf32, #tpu.memory_space<vmem>>
      %dma_wait3A_281 = arith.constant 0 : i32
      %dma_wait3A_282 = tpu.memref_slice %arg5[%add3A_275, %dma_wait3A_281] : memref<200x128xi32, #tpu.memory_space<vmem>> -> memref<1x128xi32, #tpu.memory_space<vmem>>
      %dma_wait3A_283 = tpu.memref_squeeze %dma_wait3A_282 : memref<1x128xi32, #tpu.memory_space<vmem>> -> memref<128xi32, #tpu.memory_space<vmem>>
      %dma_wait3A_284 = arith.constant 0 : i32
      %dma_wait3A_285 = arith.constant 0 : i32
      %dma_wait3A_286 = tpu.memref_slice %arg3[%dma_wait3A_284, %dma_wait3A_285] : memref<1000000x64xf32, #tpu.memory_space<hbm>> -> memref<1000000x64xf32, #tpu.memory_space<hbm>>
      tpu.wait_indirect_dma semaphore(%arg9 : memref<!tpu.dma_semaphore, #tpu.memory_space<semaphore_mem>>) src(%dma_wait3A_286 : memref<1000000x64xf32, #tpu.memory_space<hbm>>) dst(%dma_wait3A_280 : memref<128x64xf32, #tpu.memory_space<vmem>>)
      %mul3A_287 = arith.constant 128 : i32
      %mul3A_288 = arith.muli %add3A_275, %mul3A_287 : i32
      %add3A_289 = arith.addi %mul3A_2, %mul3A_288 : i32
      %dma_start3A_290 = arith.constant 2 : i32
      %dma_start3A_291 = arith.constant 0 : i32
      %dma_start3A_292 = arith.constant 0 : i32
      %dma_start3A_293 = tpu.memref_slice %arg6[%dma_start3A_290, %dma_start3A_291, %dma_start3A_292] : memref<8x128x64xf32, #tpu.memory_space<vmem>> -> memref<1x128x64xf32, #tpu.memory_space<vmem>>
      %dma_start3A_294 = tpu.memref_squeeze %dma_start3A_293 : memref<1x128x64xf32, #tpu.memory_space<vmem>> -> memref<128x64xf32, #tpu.memory_space<vmem>>
      %dma_start3A_295 = arith.constant 0 : i32
      %dma_start3A_296 = tpu.memref_slice %arg4[%add3A_289, %dma_start3A_295] : memref<819200x128xf32, #tpu.memory_space<hbm>> -> memref<128x64xf32, #tpu.memory_space<hbm>>
      %dma_start3A_297 = arith.constant 0 : i32
      %dma_start3A_298 = tpu.memref_slice %arg4[%add3A_289, %dma_start3A_297] : memref<819200x128xf32, #tpu.memory_space<hbm>> -> memref<128x64xf32, #tpu.memory_space<hbm>>
      %dma_start3A_299 = arith.constant 0 : i32
      %dma_start3A_300 = arith.constant 0 : i32
      %dma_start3A_301 = tpu.memref_slice %arg6[%dma_start3A_290, %dma_start3A_299, %dma_start3A_300] : memref<8x128x64xf32, #tpu.memory_space<vmem>> -> memref<1x128x64xf32, #tpu.memory_space<vmem>>
      %dma_start3A_302 = tpu.memref_squeeze %dma_start3A_301 : memref<1x128x64xf32, #tpu.memory_space<vmem>> -> memref<128x64xf32, #tpu.memory_space<vmem>>
      tpu.enqueue_dma source(%dma_start3A_302 : memref<128x64xf32, #tpu.memory_space<vmem>>) target(%dma_start3A_298 : memref<128x64xf32, #tpu.memory_space<hbm>>) target_semaphore(%arg17 : memref<!tpu.dma_semaphore, #tpu.memory_space<semaphore_mem>>)
      %add3A_303 = arith.constant 6 : i32
      %add3A_304 = arith.addi %add3A_275, %add3A_303 : i32
      %lt3A_305 = arith.constant 200 : i32
      %lt3A_306 = arith.cmpi slt, %add3A_304, %lt3A_305 : i32
      %convert_element_type3A_307 = arith.extui %lt3A_306 : i1 to i32
      %cond3A_308 = arith.constant 0 : i32
      %cond3A_309 = arith.cmpi ne, %convert_element_type3A_307, %cond3A_308 : i32
      scf.if %cond3A_309 {
        %ge3A = arith.constant 8 : i32
        %ge3A_500 = arith.cmpi sge, %add3A_304, %ge3A : i32
        %convert_element_type3A_501 = arith.extui %ge3A_500 : i1 to i32
        %cond3A_502 = arith.constant 0 : i32
        %cond3A_503 = arith.cmpi ne, %convert_element_type3A_501, %cond3A_502 : i32
        scf.if %cond3A_503 {
          %sub3A = arith.constant 8 : i32
          %sub3A_515 = arith.subi %add3A_304, %sub3A : i32
          %mul3A_516 = arith.constant 128 : i32
          %mul3A_517 = arith.muli %sub3A_515, %mul3A_516 : i32
          %add3A_518 = arith.addi %mul3A_2, %mul3A_517 : i32
          %dma_wait3A_519 = arith.constant 0 : i32
          %dma_wait3A_520 = arith.constant 0 : i32
          %dma_wait3A_521 = arith.constant 0 : i32
          %dma_wait3A_522 = tpu.memref_slice %arg6[%dma_wait3A_519, %dma_wait3A_520, %dma_wait3A_521] : memref<8x128x64xf32, #tpu.memory_space<vmem>> -> memref<1x128x64xf32, #tpu.memory_space<vmem>>
          %dma_wait3A_523 = tpu.memref_squeeze %dma_wait3A_522 : memref<1x128x64xf32, #tpu.memory_space<vmem>> -> memref<128x64xf32, #tpu.memory_space<vmem>>
          %dma_wait3A_524 = arith.constant 0 : i32
          %dma_wait3A_525 = tpu.memref_slice %arg4[%add3A_518, %dma_wait3A_524] : memref<819200x128xf32, #tpu.memory_space<hbm>> -> memref<128x64xf32, #tpu.memory_space<hbm>>
          %dma_wait3A_526 = arith.constant 0 : i32
          %dma_wait3A_527 = tpu.memref_slice %arg4[%add3A_518, %dma_wait3A_526] : memref<819200x128xf32, #tpu.memory_space<hbm>> -> memref<128x64xf32, #tpu.memory_space<hbm>>
          %dma_wait3A_528 = arith.constant 0 : i32
          %dma_wait3A_529 = arith.constant 0 : i32
          %dma_wait3A_530 = tpu.memref_slice %arg6[%dma_wait3A_519, %dma_wait3A_528, %dma_wait3A_529] : memref<8x128x64xf32, #tpu.memory_space<vmem>> -> memref<1x128x64xf32, #tpu.memory_space<vmem>>
          %dma_wait3A_531 = tpu.memref_squeeze %dma_wait3A_530 : memref<1x128x64xf32, #tpu.memory_space<vmem>> -> memref<128x64xf32, #tpu.memory_space<vmem>>
          tpu.wait_dma2 semaphore(%arg15 : memref<!tpu.dma_semaphore, #tpu.memory_space<semaphore_mem>>) src(%dma_wait3A_531 : memref<128x64xf32, #tpu.memory_space<vmem>>) dst(%dma_wait3A_527 : memref<128x64xf32, #tpu.memory_space<hbm>>)
        } else {
        }
        %dma_start3A_504 = arith.constant 0 : i32
        %dma_start3A_505 = arith.constant 0 : i32
        %dma_start3A_506 = arith.constant 0 : i32
        %dma_start3A_507 = tpu.memref_slice %arg6[%dma_start3A_504, %dma_start3A_505, %dma_start3A_506] : memref<8x128x64xf32, #tpu.memory_space<vmem>> -> memref<1x128x64xf32, #tpu.memory_space<vmem>>
        %dma_start3A_508 = tpu.memref_squeeze %dma_start3A_507 : memref<1x128x64xf32, #tpu.memory_space<vmem>> -> memref<128x64xf32, #tpu.memory_space<vmem>>
        %dma_start3A_509 = arith.constant 0 : i32
        %dma_start3A_510 = tpu.memref_slice %arg5[%add3A_304, %dma_start3A_509] : memref<200x128xi32, #tpu.memory_space<vmem>> -> memref<1x128xi32, #tpu.memory_space<vmem>>
        %dma_start3A_511 = tpu.memref_squeeze %dma_start3A_510 : memref<1x128xi32, #tpu.memory_space<vmem>> -> memref<128xi32, #tpu.memory_space<vmem>>
        %dma_start3A_512 = arith.constant 0 : i32
        %dma_start3A_513 = arith.constant 0 : i32
        %dma_start3A_514 = tpu.memref_slice %arg3[%dma_start3A_512, %dma_start3A_513] : memref<1000000x64xf32, #tpu.memory_space<hbm>> -> memref<1000000x64xf32, #tpu.memory_space<hbm>>
        tpu.enqueue_indirect_dma source(%dma_start3A_514 : memref<1000000x64xf32, #tpu.memory_space<hbm>>) target(%dma_start3A_508 : memref<128x64xf32, #tpu.memory_space<vmem>>) offsets(%dma_start3A_511 : memref<128xi32, #tpu.memory_space<vmem>>) semaphore(%arg7 : memref<!tpu.dma_semaphore, #tpu.memory_space<semaphore_mem>>)
      } else {
      }
      %mul3A_310 = arith.constant 8 : i32
      %mul3A_311 = arith.muli %scan3A_198, %mul3A_310 : i32
      %add3A_312 = arith.constant 3 : i32
      %add3A_313 = arith.addi %mul3A_311, %add3A_312 : i32
      %dma_wait3A_314 = arith.constant 3 : i32
      %dma_wait3A_315 = arith.constant 0 : i32
      %dma_wait3A_316 = arith.constant 0 : i32
      %dma_wait3A_317 = tpu.memref_slice %arg6[%dma_wait3A_314, %dma_wait3A_315, %dma_wait3A_316] : memref<8x128x64xf32, #tpu.memory_space<vmem>> -> memref<1x128x64xf32, #tpu.memory_space<vmem>>
      %dma_wait3A_318 = tpu.memref_squeeze %dma_wait3A_317 : memref<1x128x64xf32, #tpu.memory_space<vmem>> -> memref<128x64xf32, #tpu.memory_space<vmem>>
      %dma_wait3A_319 = arith.constant 0 : i32
      %dma_wait3A_320 = tpu.memref_slice %arg5[%add3A_313, %dma_wait3A_319] : memref<200x128xi32, #tpu.memory_space<vmem>> -> memref<1x128xi32, #tpu.memory_space<vmem>>
      %dma_wait3A_321 = tpu.memref_squeeze %dma_wait3A_320 : memref<1x128xi32, #tpu.memory_space<vmem>> -> memref<128xi32, #tpu.memory_space<vmem>>
      %dma_wait3A_322 = arith.constant 0 : i32
      %dma_wait3A_323 = arith.constant 0 : i32
      %dma_wait3A_324 = tpu.memref_slice %arg3[%dma_wait3A_322, %dma_wait3A_323] : memref<1000000x64xf32, #tpu.memory_space<hbm>> -> memref<1000000x64xf32, #tpu.memory_space<hbm>>
      tpu.wait_indirect_dma semaphore(%arg10 : memref<!tpu.dma_semaphore, #tpu.memory_space<semaphore_mem>>) src(%dma_wait3A_324 : memref<1000000x64xf32, #tpu.memory_space<hbm>>) dst(%dma_wait3A_318 : memref<128x64xf32, #tpu.memory_space<vmem>>)
      %mul3A_325 = arith.constant 128 : i32
      %mul3A_326 = arith.muli %add3A_313, %mul3A_325 : i32
      %add3A_327 = arith.addi %mul3A_2, %mul3A_326 : i32
      %dma_start3A_328 = arith.constant 3 : i32
      %dma_start3A_329 = arith.constant 0 : i32
      %dma_start3A_330 = arith.constant 0 : i32
      %dma_start3A_331 = tpu.memref_slice %arg6[%dma_start3A_328, %dma_start3A_329, %dma_start3A_330] : memref<8x128x64xf32, #tpu.memory_space<vmem>> -> memref<1x128x64xf32, #tpu.memory_space<vmem>>
      %dma_start3A_332 = tpu.memref_squeeze %dma_start3A_331 : memref<1x128x64xf32, #tpu.memory_space<vmem>> -> memref<128x64xf32, #tpu.memory_space<vmem>>
      %dma_start3A_333 = arith.constant 0 : i32
      %dma_start3A_334 = tpu.memref_slice %arg4[%add3A_327, %dma_start3A_333] : memref<819200x128xf32, #tpu.memory_space<hbm>> -> memref<128x64xf32, #tpu.memory_space<hbm>>
      %dma_start3A_335 = arith.constant 0 : i32
      %dma_start3A_336 = tpu.memref_slice %arg4[%add3A_327, %dma_start3A_335] : memref<819200x128xf32, #tpu.memory_space<hbm>> -> memref<128x64xf32, #tpu.memory_space<hbm>>
      %dma_start3A_337 = arith.constant 0 : i32
      %dma_start3A_338 = arith.constant 0 : i32
      %dma_start3A_339 = tpu.memref_slice %arg6[%dma_start3A_328, %dma_start3A_337, %dma_start3A_338] : memref<8x128x64xf32, #tpu.memory_space<vmem>> -> memref<1x128x64xf32, #tpu.memory_space<vmem>>
      %dma_start3A_340 = tpu.memref_squeeze %dma_start3A_339 : memref<1x128x64xf32, #tpu.memory_space<vmem>> -> memref<128x64xf32, #tpu.memory_space<vmem>>
      tpu.enqueue_dma source(%dma_start3A_340 : memref<128x64xf32, #tpu.memory_space<vmem>>) target(%dma_start3A_336 : memref<128x64xf32, #tpu.memory_space<hbm>>) target_semaphore(%arg18 : memref<!tpu.dma_semaphore, #tpu.memory_space<semaphore_mem>>)
      %add3A_341 = arith.constant 6 : i32
      %add3A_342 = arith.addi %add3A_313, %add3A_341 : i32
      %lt3A_343 = arith.constant 200 : i32
      %lt3A_344 = arith.cmpi slt, %add3A_342, %lt3A_343 : i32
      %convert_element_type3A_345 = arith.extui %lt3A_344 : i1 to i32
      %cond3A_346 = arith.constant 0 : i32
      %cond3A_347 = arith.cmpi ne, %convert_element_type3A_345, %cond3A_346 : i32
      scf.if %cond3A_347 {
        %ge3A = arith.constant 8 : i32
        %ge3A_500 = arith.cmpi sge, %add3A_342, %ge3A : i32
        %convert_element_type3A_501 = arith.extui %ge3A_500 : i1 to i32
        %cond3A_502 = arith.constant 0 : i32
        %cond3A_503 = arith.cmpi ne, %convert_element_type3A_501, %cond3A_502 : i32
        scf.if %cond3A_503 {
          %sub3A = arith.constant 8 : i32
          %sub3A_515 = arith.subi %add3A_342, %sub3A : i32
          %mul3A_516 = arith.constant 128 : i32
          %mul3A_517 = arith.muli %sub3A_515, %mul3A_516 : i32
          %add3A_518 = arith.addi %mul3A_2, %mul3A_517 : i32
          %dma_wait3A_519 = arith.constant 1 : i32
          %dma_wait3A_520 = arith.constant 0 : i32
          %dma_wait3A_521 = arith.constant 0 : i32
          %dma_wait3A_522 = tpu.memref_slice %arg6[%dma_wait3A_519, %dma_wait3A_520, %dma_wait3A_521] : memref<8x128x64xf32, #tpu.memory_space<vmem>> -> memref<1x128x64xf32, #tpu.memory_space<vmem>>
          %dma_wait3A_523 = tpu.memref_squeeze %dma_wait3A_522 : memref<1x128x64xf32, #tpu.memory_space<vmem>> -> memref<128x64xf32, #tpu.memory_space<vmem>>
          %dma_wait3A_524 = arith.constant 0 : i32
          %dma_wait3A_525 = tpu.memref_slice %arg4[%add3A_518, %dma_wait3A_524] : memref<819200x128xf32, #tpu.memory_space<hbm>> -> memref<128x64xf32, #tpu.memory_space<hbm>>
          %dma_wait3A_526 = arith.constant 0 : i32
          %dma_wait3A_527 = tpu.memref_slice %arg4[%add3A_518, %dma_wait3A_526] : memref<819200x128xf32, #tpu.memory_space<hbm>> -> memref<128x64xf32, #tpu.memory_space<hbm>>
          %dma_wait3A_528 = arith.constant 0 : i32
          %dma_wait3A_529 = arith.constant 0 : i32
          %dma_wait3A_530 = tpu.memref_slice %arg6[%dma_wait3A_519, %dma_wait3A_528, %dma_wait3A_529] : memref<8x128x64xf32, #tpu.memory_space<vmem>> -> memref<1x128x64xf32, #tpu.memory_space<vmem>>
          %dma_wait3A_531 = tpu.memref_squeeze %dma_wait3A_530 : memref<1x128x64xf32, #tpu.memory_space<vmem>> -> memref<128x64xf32, #tpu.memory_space<vmem>>
          tpu.wait_dma2 semaphore(%arg16 : memref<!tpu.dma_semaphore, #tpu.memory_space<semaphore_mem>>) src(%dma_wait3A_531 : memref<128x64xf32, #tpu.memory_space<vmem>>) dst(%dma_wait3A_527 : memref<128x64xf32, #tpu.memory_space<hbm>>)
        } else {
        }
        %dma_start3A_504 = arith.constant 1 : i32
        %dma_start3A_505 = arith.constant 0 : i32
        %dma_start3A_506 = arith.constant 0 : i32
        %dma_start3A_507 = tpu.memref_slice %arg6[%dma_start3A_504, %dma_start3A_505, %dma_start3A_506] : memref<8x128x64xf32, #tpu.memory_space<vmem>> -> memref<1x128x64xf32, #tpu.memory_space<vmem>>
        %dma_start3A_508 = tpu.memref_squeeze %dma_start3A_507 : memref<1x128x64xf32, #tpu.memory_space<vmem>> -> memref<128x64xf32, #tpu.memory_space<vmem>>
        %dma_start3A_509 = arith.constant 0 : i32
        %dma_start3A_510 = tpu.memref_slice %arg5[%add3A_342, %dma_start3A_509] : memref<200x128xi32, #tpu.memory_space<vmem>> -> memref<1x128xi32, #tpu.memory_space<vmem>>
        %dma_start3A_511 = tpu.memref_squeeze %dma_start3A_510 : memref<1x128xi32, #tpu.memory_space<vmem>> -> memref<128xi32, #tpu.memory_space<vmem>>
        %dma_start3A_512 = arith.constant 0 : i32
        %dma_start3A_513 = arith.constant 0 : i32
        %dma_start3A_514 = tpu.memref_slice %arg3[%dma_start3A_512, %dma_start3A_513] : memref<1000000x64xf32, #tpu.memory_space<hbm>> -> memref<1000000x64xf32, #tpu.memory_space<hbm>>
        tpu.enqueue_indirect_dma source(%dma_start3A_514 : memref<1000000x64xf32, #tpu.memory_space<hbm>>) target(%dma_start3A_508 : memref<128x64xf32, #tpu.memory_space<vmem>>) offsets(%dma_start3A_511 : memref<128xi32, #tpu.memory_space<vmem>>) semaphore(%arg8 : memref<!tpu.dma_semaphore, #tpu.memory_space<semaphore_mem>>)
      } else {
      }
      %mul3A_348 = arith.constant 8 : i32
      %mul3A_349 = arith.muli %scan3A_198, %mul3A_348 : i32
      %add3A_350 = arith.constant 4 : i32
      %add3A_351 = arith.addi %mul3A_349, %add3A_350 : i32
      %dma_wait3A_352 = arith.constant 4 : i32
      %dma_wait3A_353 = arith.constant 0 : i32
      %dma_wait3A_354 = arith.constant 0 : i32
      %dma_wait3A_355 = tpu.memref_slice %arg6[%dma_wait3A_352, %dma_wait3A_353, %dma_wait3A_354] : memref<8x128x64xf32, #tpu.memory_space<vmem>> -> memref<1x128x64xf32, #tpu.memory_space<vmem>>
      %dma_wait3A_356 = tpu.memref_squeeze %dma_wait3A_355 : memref<1x128x64xf32, #tpu.memory_space<vmem>> -> memref<128x64xf32, #tpu.memory_space<vmem>>
      %dma_wait3A_357 = arith.constant 0 : i32
      %dma_wait3A_358 = tpu.memref_slice %arg5[%add3A_351, %dma_wait3A_357] : memref<200x128xi32, #tpu.memory_space<vmem>> -> memref<1x128xi32, #tpu.memory_space<vmem>>
      %dma_wait3A_359 = tpu.memref_squeeze %dma_wait3A_358 : memref<1x128xi32, #tpu.memory_space<vmem>> -> memref<128xi32, #tpu.memory_space<vmem>>
      %dma_wait3A_360 = arith.constant 0 : i32
      %dma_wait3A_361 = arith.constant 0 : i32
      %dma_wait3A_362 = tpu.memref_slice %arg3[%dma_wait3A_360, %dma_wait3A_361] : memref<1000000x64xf32, #tpu.memory_space<hbm>> -> memref<1000000x64xf32, #tpu.memory_space<hbm>>
      tpu.wait_indirect_dma semaphore(%arg11 : memref<!tpu.dma_semaphore, #tpu.memory_space<semaphore_mem>>) src(%dma_wait3A_362 : memref<1000000x64xf32, #tpu.memory_space<hbm>>) dst(%dma_wait3A_356 : memref<128x64xf32, #tpu.memory_space<vmem>>)
      %mul3A_363 = arith.constant 128 : i32
      %mul3A_364 = arith.muli %add3A_351, %mul3A_363 : i32
      %add3A_365 = arith.addi %mul3A_2, %mul3A_364 : i32
      %dma_start3A_366 = arith.constant 4 : i32
      %dma_start3A_367 = arith.constant 0 : i32
      %dma_start3A_368 = arith.constant 0 : i32
      %dma_start3A_369 = tpu.memref_slice %arg6[%dma_start3A_366, %dma_start3A_367, %dma_start3A_368] : memref<8x128x64xf32, #tpu.memory_space<vmem>> -> memref<1x128x64xf32, #tpu.memory_space<vmem>>
      %dma_start3A_370 = tpu.memref_squeeze %dma_start3A_369 : memref<1x128x64xf32, #tpu.memory_space<vmem>> -> memref<128x64xf32, #tpu.memory_space<vmem>>
      %dma_start3A_371 = arith.constant 0 : i32
      %dma_start3A_372 = tpu.memref_slice %arg4[%add3A_365, %dma_start3A_371] : memref<819200x128xf32, #tpu.memory_space<hbm>> -> memref<128x64xf32, #tpu.memory_space<hbm>>
      %dma_start3A_373 = arith.constant 0 : i32
      %dma_start3A_374 = tpu.memref_slice %arg4[%add3A_365, %dma_start3A_373] : memref<819200x128xf32, #tpu.memory_space<hbm>> -> memref<128x64xf32, #tpu.memory_space<hbm>>
      %dma_start3A_375 = arith.constant 0 : i32
      %dma_start3A_376 = arith.constant 0 : i32
      %dma_start3A_377 = tpu.memref_slice %arg6[%dma_start3A_366, %dma_start3A_375, %dma_start3A_376] : memref<8x128x64xf32, #tpu.memory_space<vmem>> -> memref<1x128x64xf32, #tpu.memory_space<vmem>>
      %dma_start3A_378 = tpu.memref_squeeze %dma_start3A_377 : memref<1x128x64xf32, #tpu.memory_space<vmem>> -> memref<128x64xf32, #tpu.memory_space<vmem>>
      tpu.enqueue_dma source(%dma_start3A_378 : memref<128x64xf32, #tpu.memory_space<vmem>>) target(%dma_start3A_374 : memref<128x64xf32, #tpu.memory_space<hbm>>) target_semaphore(%arg19 : memref<!tpu.dma_semaphore, #tpu.memory_space<semaphore_mem>>)
      %add3A_379 = arith.constant 6 : i32
      %add3A_380 = arith.addi %add3A_351, %add3A_379 : i32
      %lt3A_381 = arith.constant 200 : i32
      %lt3A_382 = arith.cmpi slt, %add3A_380, %lt3A_381 : i32
      %convert_element_type3A_383 = arith.extui %lt3A_382 : i1 to i32
      %cond3A_384 = arith.constant 0 : i32
      %cond3A_385 = arith.cmpi ne, %convert_element_type3A_383, %cond3A_384 : i32
      scf.if %cond3A_385 {
        %ge3A = arith.constant 8 : i32
        %ge3A_500 = arith.cmpi sge, %add3A_380, %ge3A : i32
        %convert_element_type3A_501 = arith.extui %ge3A_500 : i1 to i32
        %cond3A_502 = arith.constant 0 : i32
        %cond3A_503 = arith.cmpi ne, %convert_element_type3A_501, %cond3A_502 : i32
        scf.if %cond3A_503 {
          %sub3A = arith.constant 8 : i32
          %sub3A_515 = arith.subi %add3A_380, %sub3A : i32
          %mul3A_516 = arith.constant 128 : i32
          %mul3A_517 = arith.muli %sub3A_515, %mul3A_516 : i32
          %add3A_518 = arith.addi %mul3A_2, %mul3A_517 : i32
          %dma_wait3A_519 = arith.constant 2 : i32
          %dma_wait3A_520 = arith.constant 0 : i32
          %dma_wait3A_521 = arith.constant 0 : i32
          %dma_wait3A_522 = tpu.memref_slice %arg6[%dma_wait3A_519, %dma_wait3A_520, %dma_wait3A_521] : memref<8x128x64xf32, #tpu.memory_space<vmem>> -> memref<1x128x64xf32, #tpu.memory_space<vmem>>
          %dma_wait3A_523 = tpu.memref_squeeze %dma_wait3A_522 : memref<1x128x64xf32, #tpu.memory_space<vmem>> -> memref<128x64xf32, #tpu.memory_space<vmem>>
          %dma_wait3A_524 = arith.constant 0 : i32
          %dma_wait3A_525 = tpu.memref_slice %arg4[%add3A_518, %dma_wait3A_524] : memref<819200x128xf32, #tpu.memory_space<hbm>> -> memref<128x64xf32, #tpu.memory_space<hbm>>
          %dma_wait3A_526 = arith.constant 0 : i32
          %dma_wait3A_527 = tpu.memref_slice %arg4[%add3A_518, %dma_wait3A_526] : memref<819200x128xf32, #tpu.memory_space<hbm>> -> memref<128x64xf32, #tpu.memory_space<hbm>>
          %dma_wait3A_528 = arith.constant 0 : i32
          %dma_wait3A_529 = arith.constant 0 : i32
          %dma_wait3A_530 = tpu.memref_slice %arg6[%dma_wait3A_519, %dma_wait3A_528, %dma_wait3A_529] : memref<8x128x64xf32, #tpu.memory_space<vmem>> -> memref<1x128x64xf32, #tpu.memory_space<vmem>>
          %dma_wait3A_531 = tpu.memref_squeeze %dma_wait3A_530 : memref<1x128x64xf32, #tpu.memory_space<vmem>> -> memref<128x64xf32, #tpu.memory_space<vmem>>
          tpu.wait_dma2 semaphore(%arg17 : memref<!tpu.dma_semaphore, #tpu.memory_space<semaphore_mem>>) src(%dma_wait3A_531 : memref<128x64xf32, #tpu.memory_space<vmem>>) dst(%dma_wait3A_527 : memref<128x64xf32, #tpu.memory_space<hbm>>)
        } else {
        }
        %dma_start3A_504 = arith.constant 2 : i32
        %dma_start3A_505 = arith.constant 0 : i32
        %dma_start3A_506 = arith.constant 0 : i32
        %dma_start3A_507 = tpu.memref_slice %arg6[%dma_start3A_504, %dma_start3A_505, %dma_start3A_506] : memref<8x128x64xf32, #tpu.memory_space<vmem>> -> memref<1x128x64xf32, #tpu.memory_space<vmem>>
        %dma_start3A_508 = tpu.memref_squeeze %dma_start3A_507 : memref<1x128x64xf32, #tpu.memory_space<vmem>> -> memref<128x64xf32, #tpu.memory_space<vmem>>
        %dma_start3A_509 = arith.constant 0 : i32
        %dma_start3A_510 = tpu.memref_slice %arg5[%add3A_380, %dma_start3A_509] : memref<200x128xi32, #tpu.memory_space<vmem>> -> memref<1x128xi32, #tpu.memory_space<vmem>>
        %dma_start3A_511 = tpu.memref_squeeze %dma_start3A_510 : memref<1x128xi32, #tpu.memory_space<vmem>> -> memref<128xi32, #tpu.memory_space<vmem>>
        %dma_start3A_512 = arith.constant 0 : i32
        %dma_start3A_513 = arith.constant 0 : i32
        %dma_start3A_514 = tpu.memref_slice %arg3[%dma_start3A_512, %dma_start3A_513] : memref<1000000x64xf32, #tpu.memory_space<hbm>> -> memref<1000000x64xf32, #tpu.memory_space<hbm>>
        tpu.enqueue_indirect_dma source(%dma_start3A_514 : memref<1000000x64xf32, #tpu.memory_space<hbm>>) target(%dma_start3A_508 : memref<128x64xf32, #tpu.memory_space<vmem>>) offsets(%dma_start3A_511 : memref<128xi32, #tpu.memory_space<vmem>>) semaphore(%arg9 : memref<!tpu.dma_semaphore, #tpu.memory_space<semaphore_mem>>)
      } else {
      }
      %mul3A_386 = arith.constant 8 : i32
      %mul3A_387 = arith.muli %scan3A_198, %mul3A_386 : i32
      %add3A_388 = arith.constant 5 : i32
      %add3A_389 = arith.addi %mul3A_387, %add3A_388 : i32
      %dma_wait3A_390 = arith.constant 5 : i32
      %dma_wait3A_391 = arith.constant 0 : i32
      %dma_wait3A_392 = arith.constant 0 : i32
      %dma_wait3A_393 = tpu.memref_slice %arg6[%dma_wait3A_390, %dma_wait3A_391, %dma_wait3A_392] : memref<8x128x64xf32, #tpu.memory_space<vmem>> -> memref<1x128x64xf32, #tpu.memory_space<vmem>>
      %dma_wait3A_394 = tpu.memref_squeeze %dma_wait3A_393 : memref<1x128x64xf32, #tpu.memory_space<vmem>> -> memref<128x64xf32, #tpu.memory_space<vmem>>
      %dma_wait3A_395 = arith.constant 0 : i32
      %dma_wait3A_396 = tpu.memref_slice %arg5[%add3A_389, %dma_wait3A_395] : memref<200x128xi32, #tpu.memory_space<vmem>> -> memref<1x128xi32, #tpu.memory_space<vmem>>
      %dma_wait3A_397 = tpu.memref_squeeze %dma_wait3A_396 : memref<1x128xi32, #tpu.memory_space<vmem>> -> memref<128xi32, #tpu.memory_space<vmem>>
      %dma_wait3A_398 = arith.constant 0 : i32
      %dma_wait3A_399 = arith.constant 0 : i32
      %dma_wait3A_400 = tpu.memref_slice %arg3[%dma_wait3A_398, %dma_wait3A_399] : memref<1000000x64xf32, #tpu.memory_space<hbm>> -> memref<1000000x64xf32, #tpu.memory_space<hbm>>
      tpu.wait_indirect_dma semaphore(%arg12 : memref<!tpu.dma_semaphore, #tpu.memory_space<semaphore_mem>>) src(%dma_wait3A_400 : memref<1000000x64xf32, #tpu.memory_space<hbm>>) dst(%dma_wait3A_394 : memref<128x64xf32, #tpu.memory_space<vmem>>)
      %mul3A_401 = arith.constant 128 : i32
      %mul3A_402 = arith.muli %add3A_389, %mul3A_401 : i32
      %add3A_403 = arith.addi %mul3A_2, %mul3A_402 : i32
      %dma_start3A_404 = arith.constant 5 : i32
      %dma_start3A_405 = arith.constant 0 : i32
      %dma_start3A_406 = arith.constant 0 : i32
      %dma_start3A_407 = tpu.memref_slice %arg6[%dma_start3A_404, %dma_start3A_405, %dma_start3A_406] : memref<8x128x64xf32, #tpu.memory_space<vmem>> -> memref<1x128x64xf32, #tpu.memory_space<vmem>>
      %dma_start3A_408 = tpu.memref_squeeze %dma_start3A_407 : memref<1x128x64xf32, #tpu.memory_space<vmem>> -> memref<128x64xf32, #tpu.memory_space<vmem>>
      %dma_start3A_409 = arith.constant 0 : i32
      %dma_start3A_410 = tpu.memref_slice %arg4[%add3A_403, %dma_start3A_409] : memref<819200x128xf32, #tpu.memory_space<hbm>> -> memref<128x64xf32, #tpu.memory_space<hbm>>
      %dma_start3A_411 = arith.constant 0 : i32
      %dma_start3A_412 = tpu.memref_slice %arg4[%add3A_403, %dma_start3A_411] : memref<819200x128xf32, #tpu.memory_space<hbm>> -> memref<128x64xf32, #tpu.memory_space<hbm>>
      %dma_start3A_413 = arith.constant 0 : i32
      %dma_start3A_414 = arith.constant 0 : i32
      %dma_start3A_415 = tpu.memref_slice %arg6[%dma_start3A_404, %dma_start3A_413, %dma_start3A_414] : memref<8x128x64xf32, #tpu.memory_space<vmem>> -> memref<1x128x64xf32, #tpu.memory_space<vmem>>
      %dma_start3A_416 = tpu.memref_squeeze %dma_start3A_415 : memref<1x128x64xf32, #tpu.memory_space<vmem>> -> memref<128x64xf32, #tpu.memory_space<vmem>>
      tpu.enqueue_dma source(%dma_start3A_416 : memref<128x64xf32, #tpu.memory_space<vmem>>) target(%dma_start3A_412 : memref<128x64xf32, #tpu.memory_space<hbm>>) target_semaphore(%arg20 : memref<!tpu.dma_semaphore, #tpu.memory_space<semaphore_mem>>)
      %add3A_417 = arith.constant 6 : i32
      %add3A_418 = arith.addi %add3A_389, %add3A_417 : i32
      %lt3A_419 = arith.constant 200 : i32
      %lt3A_420 = arith.cmpi slt, %add3A_418, %lt3A_419 : i32
      %convert_element_type3A_421 = arith.extui %lt3A_420 : i1 to i32
      %cond3A_422 = arith.constant 0 : i32
      %cond3A_423 = arith.cmpi ne, %convert_element_type3A_421, %cond3A_422 : i32
      scf.if %cond3A_423 {
        %ge3A = arith.constant 8 : i32
        %ge3A_500 = arith.cmpi sge, %add3A_418, %ge3A : i32
        %convert_element_type3A_501 = arith.extui %ge3A_500 : i1 to i32
        %cond3A_502 = arith.constant 0 : i32
        %cond3A_503 = arith.cmpi ne, %convert_element_type3A_501, %cond3A_502 : i32
        scf.if %cond3A_503 {
          %sub3A = arith.constant 8 : i32
          %sub3A_515 = arith.subi %add3A_418, %sub3A : i32
          %mul3A_516 = arith.constant 128 : i32
          %mul3A_517 = arith.muli %sub3A_515, %mul3A_516 : i32
          %add3A_518 = arith.addi %mul3A_2, %mul3A_517 : i32
          %dma_wait3A_519 = arith.constant 3 : i32
          %dma_wait3A_520 = arith.constant 0 : i32
          %dma_wait3A_521 = arith.constant 0 : i32
          %dma_wait3A_522 = tpu.memref_slice %arg6[%dma_wait3A_519, %dma_wait3A_520, %dma_wait3A_521] : memref<8x128x64xf32, #tpu.memory_space<vmem>> -> memref<1x128x64xf32, #tpu.memory_space<vmem>>
          %dma_wait3A_523 = tpu.memref_squeeze %dma_wait3A_522 : memref<1x128x64xf32, #tpu.memory_space<vmem>> -> memref<128x64xf32, #tpu.memory_space<vmem>>
          %dma_wait3A_524 = arith.constant 0 : i32
          %dma_wait3A_525 = tpu.memref_slice %arg4[%add3A_518, %dma_wait3A_524] : memref<819200x128xf32, #tpu.memory_space<hbm>> -> memref<128x64xf32, #tpu.memory_space<hbm>>
          %dma_wait3A_526 = arith.constant 0 : i32
          %dma_wait3A_527 = tpu.memref_slice %arg4[%add3A_518, %dma_wait3A_526] : memref<819200x128xf32, #tpu.memory_space<hbm>> -> memref<128x64xf32, #tpu.memory_space<hbm>>
          %dma_wait3A_528 = arith.constant 0 : i32
          %dma_wait3A_529 = arith.constant 0 : i32
          %dma_wait3A_530 = tpu.memref_slice %arg6[%dma_wait3A_519, %dma_wait3A_528, %dma_wait3A_529] : memref<8x128x64xf32, #tpu.memory_space<vmem>> -> memref<1x128x64xf32, #tpu.memory_space<vmem>>
          %dma_wait3A_531 = tpu.memref_squeeze %dma_wait3A_530 : memref<1x128x64xf32, #tpu.memory_space<vmem>> -> memref<128x64xf32, #tpu.memory_space<vmem>>
          tpu.wait_dma2 semaphore(%arg18 : memref<!tpu.dma_semaphore, #tpu.memory_space<semaphore_mem>>) src(%dma_wait3A_531 : memref<128x64xf32, #tpu.memory_space<vmem>>) dst(%dma_wait3A_527 : memref<128x64xf32, #tpu.memory_space<hbm>>)
        } else {
        }
        %dma_start3A_504 = arith.constant 3 : i32
        %dma_start3A_505 = arith.constant 0 : i32
        %dma_start3A_506 = arith.constant 0 : i32
        %dma_start3A_507 = tpu.memref_slice %arg6[%dma_start3A_504, %dma_start3A_505, %dma_start3A_506] : memref<8x128x64xf32, #tpu.memory_space<vmem>> -> memref<1x128x64xf32, #tpu.memory_space<vmem>>
        %dma_start3A_508 = tpu.memref_squeeze %dma_start3A_507 : memref<1x128x64xf32, #tpu.memory_space<vmem>> -> memref<128x64xf32, #tpu.memory_space<vmem>>
        %dma_start3A_509 = arith.constant 0 : i32
        %dma_start3A_510 = tpu.memref_slice %arg5[%add3A_418, %dma_start3A_509] : memref<200x128xi32, #tpu.memory_space<vmem>> -> memref<1x128xi32, #tpu.memory_space<vmem>>
        %dma_start3A_511 = tpu.memref_squeeze %dma_start3A_510 : memref<1x128xi32, #tpu.memory_space<vmem>> -> memref<128xi32, #tpu.memory_space<vmem>>
        %dma_start3A_512 = arith.constant 0 : i32
        %dma_start3A_513 = arith.constant 0 : i32
        %dma_start3A_514 = tpu.memref_slice %arg3[%dma_start3A_512, %dma_start3A_513] : memref<1000000x64xf32, #tpu.memory_space<hbm>> -> memref<1000000x64xf32, #tpu.memory_space<hbm>>
        tpu.enqueue_indirect_dma source(%dma_start3A_514 : memref<1000000x64xf32, #tpu.memory_space<hbm>>) target(%dma_start3A_508 : memref<128x64xf32, #tpu.memory_space<vmem>>) offsets(%dma_start3A_511 : memref<128xi32, #tpu.memory_space<vmem>>) semaphore(%arg10 : memref<!tpu.dma_semaphore, #tpu.memory_space<semaphore_mem>>)
      } else {
      }
      %mul3A_424 = arith.constant 8 : i32
      %mul3A_425 = arith.muli %scan3A_198, %mul3A_424 : i32
      %add3A_426 = arith.constant 6 : i32
      %add3A_427 = arith.addi %mul3A_425, %add3A_426 : i32
      %dma_wait3A_428 = arith.constant 6 : i32
      %dma_wait3A_429 = arith.constant 0 : i32
      %dma_wait3A_430 = arith.constant 0 : i32
      %dma_wait3A_431 = tpu.memref_slice %arg6[%dma_wait3A_428, %dma_wait3A_429, %dma_wait3A_430] : memref<8x128x64xf32, #tpu.memory_space<vmem>> -> memref<1x128x64xf32, #tpu.memory_space<vmem>>
      %dma_wait3A_432 = tpu.memref_squeeze %dma_wait3A_431 : memref<1x128x64xf32, #tpu.memory_space<vmem>> -> memref<128x64xf32, #tpu.memory_space<vmem>>
      %dma_wait3A_433 = arith.constant 0 : i32
      %dma_wait3A_434 = tpu.memref_slice %arg5[%add3A_427, %dma_wait3A_433] : memref<200x128xi32, #tpu.memory_space<vmem>> -> memref<1x128xi32, #tpu.memory_space<vmem>>
      %dma_wait3A_435 = tpu.memref_squeeze %dma_wait3A_434 : memref<1x128xi32, #tpu.memory_space<vmem>> -> memref<128xi32, #tpu.memory_space<vmem>>
      %dma_wait3A_436 = arith.constant 0 : i32
      %dma_wait3A_437 = arith.constant 0 : i32
      %dma_wait3A_438 = tpu.memref_slice %arg3[%dma_wait3A_436, %dma_wait3A_437] : memref<1000000x64xf32, #tpu.memory_space<hbm>> -> memref<1000000x64xf32, #tpu.memory_space<hbm>>
      tpu.wait_indirect_dma semaphore(%arg13 : memref<!tpu.dma_semaphore, #tpu.memory_space<semaphore_mem>>) src(%dma_wait3A_438 : memref<1000000x64xf32, #tpu.memory_space<hbm>>) dst(%dma_wait3A_432 : memref<128x64xf32, #tpu.memory_space<vmem>>)
      %mul3A_439 = arith.constant 128 : i32
      %mul3A_440 = arith.muli %add3A_427, %mul3A_439 : i32
      %add3A_441 = arith.addi %mul3A_2, %mul3A_440 : i32
      %dma_start3A_442 = arith.constant 6 : i32
      %dma_start3A_443 = arith.constant 0 : i32
      %dma_start3A_444 = arith.constant 0 : i32
      %dma_start3A_445 = tpu.memref_slice %arg6[%dma_start3A_442, %dma_start3A_443, %dma_start3A_444] : memref<8x128x64xf32, #tpu.memory_space<vmem>> -> memref<1x128x64xf32, #tpu.memory_space<vmem>>
      %dma_start3A_446 = tpu.memref_squeeze %dma_start3A_445 : memref<1x128x64xf32, #tpu.memory_space<vmem>> -> memref<128x64xf32, #tpu.memory_space<vmem>>
      %dma_start3A_447 = arith.constant 0 : i32
      %dma_start3A_448 = tpu.memref_slice %arg4[%add3A_441, %dma_start3A_447] : memref<819200x128xf32, #tpu.memory_space<hbm>> -> memref<128x64xf32, #tpu.memory_space<hbm>>
      %dma_start3A_449 = arith.constant 0 : i32
      %dma_start3A_450 = tpu.memref_slice %arg4[%add3A_441, %dma_start3A_449] : memref<819200x128xf32, #tpu.memory_space<hbm>> -> memref<128x64xf32, #tpu.memory_space<hbm>>
      %dma_start3A_451 = arith.constant 0 : i32
      %dma_start3A_452 = arith.constant 0 : i32
      %dma_start3A_453 = tpu.memref_slice %arg6[%dma_start3A_442, %dma_start3A_451, %dma_start3A_452] : memref<8x128x64xf32, #tpu.memory_space<vmem>> -> memref<1x128x64xf32, #tpu.memory_space<vmem>>
      %dma_start3A_454 = tpu.memref_squeeze %dma_start3A_453 : memref<1x128x64xf32, #tpu.memory_space<vmem>> -> memref<128x64xf32, #tpu.memory_space<vmem>>
      tpu.enqueue_dma source(%dma_start3A_454 : memref<128x64xf32, #tpu.memory_space<vmem>>) target(%dma_start3A_450 : memref<128x64xf32, #tpu.memory_space<hbm>>) target_semaphore(%arg21 : memref<!tpu.dma_semaphore, #tpu.memory_space<semaphore_mem>>)
      %add3A_455 = arith.constant 6 : i32
      %add3A_456 = arith.addi %add3A_427, %add3A_455 : i32
      %lt3A_457 = arith.constant 200 : i32
      %lt3A_458 = arith.cmpi slt, %add3A_456, %lt3A_457 : i32
      %convert_element_type3A_459 = arith.extui %lt3A_458 : i1 to i32
      %cond3A_460 = arith.constant 0 : i32
      %cond3A_461 = arith.cmpi ne, %convert_element_type3A_459, %cond3A_460 : i32
      scf.if %cond3A_461 {
        %ge3A = arith.constant 8 : i32
        %ge3A_500 = arith.cmpi sge, %add3A_456, %ge3A : i32
        %convert_element_type3A_501 = arith.extui %ge3A_500 : i1 to i32
        %cond3A_502 = arith.constant 0 : i32
        %cond3A_503 = arith.cmpi ne, %convert_element_type3A_501, %cond3A_502 : i32
        scf.if %cond3A_503 {
          %sub3A = arith.constant 8 : i32
          %sub3A_515 = arith.subi %add3A_456, %sub3A : i32
          %mul3A_516 = arith.constant 128 : i32
          %mul3A_517 = arith.muli %sub3A_515, %mul3A_516 : i32
          %add3A_518 = arith.addi %mul3A_2, %mul3A_517 : i32
          %dma_wait3A_519 = arith.constant 4 : i32
          %dma_wait3A_520 = arith.constant 0 : i32
          %dma_wait3A_521 = arith.constant 0 : i32
          %dma_wait3A_522 = tpu.memref_slice %arg6[%dma_wait3A_519, %dma_wait3A_520, %dma_wait3A_521] : memref<8x128x64xf32, #tpu.memory_space<vmem>> -> memref<1x128x64xf32, #tpu.memory_space<vmem>>
          %dma_wait3A_523 = tpu.memref_squeeze %dma_wait3A_522 : memref<1x128x64xf32, #tpu.memory_space<vmem>> -> memref<128x64xf32, #tpu.memory_space<vmem>>
          %dma_wait3A_524 = arith.constant 0 : i32
          %dma_wait3A_525 = tpu.memref_slice %arg4[%add3A_518, %dma_wait3A_524] : memref<819200x128xf32, #tpu.memory_space<hbm>> -> memref<128x64xf32, #tpu.memory_space<hbm>>
          %dma_wait3A_526 = arith.constant 0 : i32
          %dma_wait3A_527 = tpu.memref_slice %arg4[%add3A_518, %dma_wait3A_526] : memref<819200x128xf32, #tpu.memory_space<hbm>> -> memref<128x64xf32, #tpu.memory_space<hbm>>
          %dma_wait3A_528 = arith.constant 0 : i32
          %dma_wait3A_529 = arith.constant 0 : i32
          %dma_wait3A_530 = tpu.memref_slice %arg6[%dma_wait3A_519, %dma_wait3A_528, %dma_wait3A_529] : memref<8x128x64xf32, #tpu.memory_space<vmem>> -> memref<1x128x64xf32, #tpu.memory_space<vmem>>
          %dma_wait3A_531 = tpu.memref_squeeze %dma_wait3A_530 : memref<1x128x64xf32, #tpu.memory_space<vmem>> -> memref<128x64xf32, #tpu.memory_space<vmem>>
          tpu.wait_dma2 semaphore(%arg19 : memref<!tpu.dma_semaphore, #tpu.memory_space<semaphore_mem>>) src(%dma_wait3A_531 : memref<128x64xf32, #tpu.memory_space<vmem>>) dst(%dma_wait3A_527 : memref<128x64xf32, #tpu.memory_space<hbm>>)
        } else {
        }
        %dma_start3A_504 = arith.constant 4 : i32
        %dma_start3A_505 = arith.constant 0 : i32
        %dma_start3A_506 = arith.constant 0 : i32
        %dma_start3A_507 = tpu.memref_slice %arg6[%dma_start3A_504, %dma_start3A_505, %dma_start3A_506] : memref<8x128x64xf32, #tpu.memory_space<vmem>> -> memref<1x128x64xf32, #tpu.memory_space<vmem>>
        %dma_start3A_508 = tpu.memref_squeeze %dma_start3A_507 : memref<1x128x64xf32, #tpu.memory_space<vmem>> -> memref<128x64xf32, #tpu.memory_space<vmem>>
        %dma_start3A_509 = arith.constant 0 : i32
        %dma_start3A_510 = tpu.memref_slice %arg5[%add3A_456, %dma_start3A_509] : memref<200x128xi32, #tpu.memory_space<vmem>> -> memref<1x128xi32, #tpu.memory_space<vmem>>
        %dma_start3A_511 = tpu.memref_squeeze %dma_start3A_510 : memref<1x128xi32, #tpu.memory_space<vmem>> -> memref<128xi32, #tpu.memory_space<vmem>>
        %dma_start3A_512 = arith.constant 0 : i32
        %dma_start3A_513 = arith.constant 0 : i32
        %dma_start3A_514 = tpu.memref_slice %arg3[%dma_start3A_512, %dma_start3A_513] : memref<1000000x64xf32, #tpu.memory_space<hbm>> -> memref<1000000x64xf32, #tpu.memory_space<hbm>>
        tpu.enqueue_indirect_dma source(%dma_start3A_514 : memref<1000000x64xf32, #tpu.memory_space<hbm>>) target(%dma_start3A_508 : memref<128x64xf32, #tpu.memory_space<vmem>>) offsets(%dma_start3A_511 : memref<128xi32, #tpu.memory_space<vmem>>) semaphore(%arg11 : memref<!tpu.dma_semaphore, #tpu.memory_space<semaphore_mem>>)
      } else {
      }
      %mul3A_462 = arith.constant 8 : i32
      %mul3A_463 = arith.muli %scan3A_198, %mul3A_462 : i32
      %add3A_464 = arith.constant 7 : i32
      %add3A_465 = arith.addi %mul3A_463, %add3A_464 : i32
      %dma_wait3A_466 = arith.constant 7 : i32
      %dma_wait3A_467 = arith.constant 0 : i32
      %dma_wait3A_468 = arith.constant 0 : i32
      %dma_wait3A_469 = tpu.memref_slice %arg6[%dma_wait3A_466, %dma_wait3A_467, %dma_wait3A_468] : memref<8x128x64xf32, #tpu.memory_space<vmem>> -> memref<1x128x64xf32, #tpu.memory_space<vmem>>
      %dma_wait3A_470 = tpu.memref_squeeze %dma_wait3A_469 : memref<1x128x64xf32, #tpu.memory_space<vmem>> -> memref<128x64xf32, #tpu.memory_space<vmem>>
      %dma_wait3A_471 = arith.constant 0 : i32
      %dma_wait3A_472 = tpu.memref_slice %arg5[%add3A_465, %dma_wait3A_471] : memref<200x128xi32, #tpu.memory_space<vmem>> -> memref<1x128xi32, #tpu.memory_space<vmem>>
      %dma_wait3A_473 = tpu.memref_squeeze %dma_wait3A_472 : memref<1x128xi32, #tpu.memory_space<vmem>> -> memref<128xi32, #tpu.memory_space<vmem>>
      %dma_wait3A_474 = arith.constant 0 : i32
      %dma_wait3A_475 = arith.constant 0 : i32
      %dma_wait3A_476 = tpu.memref_slice %arg3[%dma_wait3A_474, %dma_wait3A_475] : memref<1000000x64xf32, #tpu.memory_space<hbm>> -> memref<1000000x64xf32, #tpu.memory_space<hbm>>
      tpu.wait_indirect_dma semaphore(%arg14 : memref<!tpu.dma_semaphore, #tpu.memory_space<semaphore_mem>>) src(%dma_wait3A_476 : memref<1000000x64xf32, #tpu.memory_space<hbm>>) dst(%dma_wait3A_470 : memref<128x64xf32, #tpu.memory_space<vmem>>)
      %mul3A_477 = arith.constant 128 : i32
      %mul3A_478 = arith.muli %add3A_465, %mul3A_477 : i32
      %add3A_479 = arith.addi %mul3A_2, %mul3A_478 : i32
      %dma_start3A_480 = arith.constant 7 : i32
      %dma_start3A_481 = arith.constant 0 : i32
      %dma_start3A_482 = arith.constant 0 : i32
      %dma_start3A_483 = tpu.memref_slice %arg6[%dma_start3A_480, %dma_start3A_481, %dma_start3A_482] : memref<8x128x64xf32, #tpu.memory_space<vmem>> -> memref<1x128x64xf32, #tpu.memory_space<vmem>>
      %dma_start3A_484 = tpu.memref_squeeze %dma_start3A_483 : memref<1x128x64xf32, #tpu.memory_space<vmem>> -> memref<128x64xf32, #tpu.memory_space<vmem>>
      %dma_start3A_485 = arith.constant 0 : i32
      %dma_start3A_486 = tpu.memref_slice %arg4[%add3A_479, %dma_start3A_485] : memref<819200x128xf32, #tpu.memory_space<hbm>> -> memref<128x64xf32, #tpu.memory_space<hbm>>
      %dma_start3A_487 = arith.constant 0 : i32
      %dma_start3A_488 = tpu.memref_slice %arg4[%add3A_479, %dma_start3A_487] : memref<819200x128xf32, #tpu.memory_space<hbm>> -> memref<128x64xf32, #tpu.memory_space<hbm>>
      %dma_start3A_489 = arith.constant 0 : i32
      %dma_start3A_490 = arith.constant 0 : i32
      %dma_start3A_491 = tpu.memref_slice %arg6[%dma_start3A_480, %dma_start3A_489, %dma_start3A_490] : memref<8x128x64xf32, #tpu.memory_space<vmem>> -> memref<1x128x64xf32, #tpu.memory_space<vmem>>
      %dma_start3A_492 = tpu.memref_squeeze %dma_start3A_491 : memref<1x128x64xf32, #tpu.memory_space<vmem>> -> memref<128x64xf32, #tpu.memory_space<vmem>>
      tpu.enqueue_dma source(%dma_start3A_492 : memref<128x64xf32, #tpu.memory_space<vmem>>) target(%dma_start3A_488 : memref<128x64xf32, #tpu.memory_space<hbm>>) target_semaphore(%arg22 : memref<!tpu.dma_semaphore, #tpu.memory_space<semaphore_mem>>)
      %add3A_493 = arith.constant 6 : i32
      %add3A_494 = arith.addi %add3A_465, %add3A_493 : i32
      %lt3A_495 = arith.constant 200 : i32
      %lt3A_496 = arith.cmpi slt, %add3A_494, %lt3A_495 : i32
      %convert_element_type3A_497 = arith.extui %lt3A_496 : i1 to i32
      %cond3A_498 = arith.constant 0 : i32
      %cond3A_499 = arith.cmpi ne, %convert_element_type3A_497, %cond3A_498 : i32
      scf.if %cond3A_499 {
        %ge3A = arith.constant 8 : i32
        %ge3A_500 = arith.cmpi sge, %add3A_494, %ge3A : i32
        %convert_element_type3A_501 = arith.extui %ge3A_500 : i1 to i32
        %cond3A_502 = arith.constant 0 : i32
        %cond3A_503 = arith.cmpi ne, %convert_element_type3A_501, %cond3A_502 : i32
        scf.if %cond3A_503 {
          %sub3A = arith.constant 8 : i32
          %sub3A_515 = arith.subi %add3A_494, %sub3A : i32
          %mul3A_516 = arith.constant 128 : i32
          %mul3A_517 = arith.muli %sub3A_515, %mul3A_516 : i32
          %add3A_518 = arith.addi %mul3A_2, %mul3A_517 : i32
          %dma_wait3A_519 = arith.constant 5 : i32
          %dma_wait3A_520 = arith.constant 0 : i32
          %dma_wait3A_521 = arith.constant 0 : i32
          %dma_wait3A_522 = tpu.memref_slice %arg6[%dma_wait3A_519, %dma_wait3A_520, %dma_wait3A_521] : memref<8x128x64xf32, #tpu.memory_space<vmem>> -> memref<1x128x64xf32, #tpu.memory_space<vmem>>
          %dma_wait3A_523 = tpu.memref_squeeze %dma_wait3A_522 : memref<1x128x64xf32, #tpu.memory_space<vmem>> -> memref<128x64xf32, #tpu.memory_space<vmem>>
          %dma_wait3A_524 = arith.constant 0 : i32
          %dma_wait3A_525 = tpu.memref_slice %arg4[%add3A_518, %dma_wait3A_524] : memref<819200x128xf32, #tpu.memory_space<hbm>> -> memref<128x64xf32, #tpu.memory_space<hbm>>
          %dma_wait3A_526 = arith.constant 0 : i32
          %dma_wait3A_527 = tpu.memref_slice %arg4[%add3A_518, %dma_wait3A_526] : memref<819200x128xf32, #tpu.memory_space<hbm>> -> memref<128x64xf32, #tpu.memory_space<hbm>>
          %dma_wait3A_528 = arith.constant 0 : i32
          %dma_wait3A_529 = arith.constant 0 : i32
          %dma_wait3A_530 = tpu.memref_slice %arg6[%dma_wait3A_519, %dma_wait3A_528, %dma_wait3A_529] : memref<8x128x64xf32, #tpu.memory_space<vmem>> -> memref<1x128x64xf32, #tpu.memory_space<vmem>>
          %dma_wait3A_531 = tpu.memref_squeeze %dma_wait3A_530 : memref<1x128x64xf32, #tpu.memory_space<vmem>> -> memref<128x64xf32, #tpu.memory_space<vmem>>
          tpu.wait_dma2 semaphore(%arg20 : memref<!tpu.dma_semaphore, #tpu.memory_space<semaphore_mem>>) src(%dma_wait3A_531 : memref<128x64xf32, #tpu.memory_space<vmem>>) dst(%dma_wait3A_527 : memref<128x64xf32, #tpu.memory_space<hbm>>)
        } else {
        }
        %dma_start3A_504 = arith.constant 5 : i32
        %dma_start3A_505 = arith.constant 0 : i32
        %dma_start3A_506 = arith.constant 0 : i32
        %dma_start3A_507 = tpu.memref_slice %arg6[%dma_start3A_504, %dma_start3A_505, %dma_start3A_506] : memref<8x128x64xf32, #tpu.memory_space<vmem>> -> memref<1x128x64xf32, #tpu.memory_space<vmem>>
        %dma_start3A_508 = tpu.memref_squeeze %dma_start3A_507 : memref<1x128x64xf32, #tpu.memory_space<vmem>> -> memref<128x64xf32, #tpu.memory_space<vmem>>
        %dma_start3A_509 = arith.constant 0 : i32
        %dma_start3A_510 = tpu.memref_slice %arg5[%add3A_494, %dma_start3A_509] : memref<200x128xi32, #tpu.memory_space<vmem>> -> memref<1x128xi32, #tpu.memory_space<vmem>>
        %dma_start3A_511 = tpu.memref_squeeze %dma_start3A_510 : memref<1x128xi32, #tpu.memory_space<vmem>> -> memref<128xi32, #tpu.memory_space<vmem>>
        %dma_start3A_512 = arith.constant 0 : i32
        %dma_start3A_513 = arith.constant 0 : i32
        %dma_start3A_514 = tpu.memref_slice %arg3[%dma_start3A_512, %dma_start3A_513] : memref<1000000x64xf32, #tpu.memory_space<hbm>> -> memref<1000000x64xf32, #tpu.memory_space<hbm>>
        tpu.enqueue_indirect_dma source(%dma_start3A_514 : memref<1000000x64xf32, #tpu.memory_space<hbm>>) target(%dma_start3A_508 : memref<128x64xf32, #tpu.memory_space<vmem>>) offsets(%dma_start3A_511 : memref<128xi32, #tpu.memory_space<vmem>>) semaphore(%arg12 : memref<!tpu.dma_semaphore, #tpu.memory_space<semaphore_mem>>)
      } else {
      }
    }
    %scan3A_78 = arith.constant 25 : i32
    %add3A_79 = arith.constant 24576 : i32
    %add3A_80 = arith.addi %mul3A_2, %add3A_79 : i32
    %dma_wait3A = arith.constant 0 : i32
    %dma_wait3A_81 = arith.constant 0 : i32
    %dma_wait3A_82 = arith.constant 0 : i32
    %dma_wait3A_83 = tpu.memref_slice %arg6[%dma_wait3A, %dma_wait3A_81, %dma_wait3A_82] : memref<8x128x64xf32, #tpu.memory_space<vmem>> -> memref<1x128x64xf32, #tpu.memory_space<vmem>>
    %dma_wait3A_84 = tpu.memref_squeeze %dma_wait3A_83 : memref<1x128x64xf32, #tpu.memory_space<vmem>> -> memref<128x64xf32, #tpu.memory_space<vmem>>
    %dma_wait3A_85 = arith.constant 0 : i32
    %dma_wait3A_86 = tpu.memref_slice %arg4[%add3A_80, %dma_wait3A_85] : memref<819200x128xf32, #tpu.memory_space<hbm>> -> memref<128x64xf32, #tpu.memory_space<hbm>>
    %dma_wait3A_87 = arith.constant 0 : i32
    %dma_wait3A_88 = tpu.memref_slice %arg4[%add3A_80, %dma_wait3A_87] : memref<819200x128xf32, #tpu.memory_space<hbm>> -> memref<128x64xf32, #tpu.memory_space<hbm>>
    %dma_wait3A_89 = arith.constant 0 : i32
    %dma_wait3A_90 = arith.constant 0 : i32
    %dma_wait3A_91 = tpu.memref_slice %arg6[%dma_wait3A, %dma_wait3A_89, %dma_wait3A_90] : memref<8x128x64xf32, #tpu.memory_space<vmem>> -> memref<1x128x64xf32, #tpu.memory_space<vmem>>
    %dma_wait3A_92 = tpu.memref_squeeze %dma_wait3A_91 : memref<1x128x64xf32, #tpu.memory_space<vmem>> -> memref<128x64xf32, #tpu.memory_space<vmem>>
    tpu.wait_dma2 semaphore(%arg15 : memref<!tpu.dma_semaphore, #tpu.memory_space<semaphore_mem>>) src(%dma_wait3A_92 : memref<128x64xf32, #tpu.memory_space<vmem>>) dst(%dma_wait3A_88 : memref<128x64xf32, #tpu.memory_space<hbm>>)
    %add3A_93 = arith.constant 24704 : i32
    %add3A_94 = arith.addi %mul3A_2, %add3A_93 : i32
    %dma_wait3A_95 = arith.constant 1 : i32
    %dma_wait3A_96 = arith.constant 0 : i32
    %dma_wait3A_97 = arith.constant 0 : i32
    %dma_wait3A_98 = tpu.memref_slice %arg6[%dma_wait3A_95, %dma_wait3A_96, %dma_wait3A_97] : memref<8x128x64xf32, #tpu.memory_space<vmem>> -> memref<1x128x64xf32, #tpu.memory_space<vmem>>
    %dma_wait3A_99 = tpu.memref_squeeze %dma_wait3A_98 : memref<1x128x64xf32, #tpu.memory_space<vmem>> -> memref<128x64xf32, #tpu.memory_space<vmem>>
    %dma_wait3A_100 = arith.constant 0 : i32
    %dma_wait3A_101 = tpu.memref_slice %arg4[%add3A_94, %dma_wait3A_100] : memref<819200x128xf32, #tpu.memory_space<hbm>> -> memref<128x64xf32, #tpu.memory_space<hbm>>
    %dma_wait3A_102 = arith.constant 0 : i32
    %dma_wait3A_103 = tpu.memref_slice %arg4[%add3A_94, %dma_wait3A_102] : memref<819200x128xf32, #tpu.memory_space<hbm>> -> memref<128x64xf32, #tpu.memory_space<hbm>>
    %dma_wait3A_104 = arith.constant 0 : i32
    %dma_wait3A_105 = arith.constant 0 : i32
    %dma_wait3A_106 = tpu.memref_slice %arg6[%dma_wait3A_95, %dma_wait3A_104, %dma_wait3A_105] : memref<8x128x64xf32, #tpu.memory_space<vmem>> -> memref<1x128x64xf32, #tpu.memory_space<vmem>>
    %dma_wait3A_107 = tpu.memref_squeeze %dma_wait3A_106 : memref<1x128x64xf32, #tpu.memory_space<vmem>> -> memref<128x64xf32, #tpu.memory_space<vmem>>
    tpu.wait_dma2 semaphore(%arg16 : memref<!tpu.dma_semaphore, #tpu.memory_space<semaphore_mem>>) src(%dma_wait3A_107 : memref<128x64xf32, #tpu.memory_space<vmem>>) dst(%dma_wait3A_103 : memref<128x64xf32, #tpu.memory_space<hbm>>)
    %add3A_108 = arith.constant 24832 : i32
    %add3A_109 = arith.addi %mul3A_2, %add3A_108 : i32
    %dma_wait3A_110 = arith.constant 2 : i32
    %dma_wait3A_111 = arith.constant 0 : i32
    %dma_wait3A_112 = arith.constant 0 : i32
    %dma_wait3A_113 = tpu.memref_slice %arg6[%dma_wait3A_110, %dma_wait3A_111, %dma_wait3A_112] : memref<8x128x64xf32, #tpu.memory_space<vmem>> -> memref<1x128x64xf32, #tpu.memory_space<vmem>>
    %dma_wait3A_114 = tpu.memref_squeeze %dma_wait3A_113 : memref<1x128x64xf32, #tpu.memory_space<vmem>> -> memref<128x64xf32, #tpu.memory_space<vmem>>
    %dma_wait3A_115 = arith.constant 0 : i32
    %dma_wait3A_116 = tpu.memref_slice %arg4[%add3A_109, %dma_wait3A_115] : memref<819200x128xf32, #tpu.memory_space<hbm>> -> memref<128x64xf32, #tpu.memory_space<hbm>>
    %dma_wait3A_117 = arith.constant 0 : i32
    %dma_wait3A_118 = tpu.memref_slice %arg4[%add3A_109, %dma_wait3A_117] : memref<819200x128xf32, #tpu.memory_space<hbm>> -> memref<128x64xf32, #tpu.memory_space<hbm>>
    %dma_wait3A_119 = arith.constant 0 : i32
    %dma_wait3A_120 = arith.constant 0 : i32
    %dma_wait3A_121 = tpu.memref_slice %arg6[%dma_wait3A_110, %dma_wait3A_119, %dma_wait3A_120] : memref<8x128x64xf32, #tpu.memory_space<vmem>> -> memref<1x128x64xf32, #tpu.memory_space<vmem>>
    %dma_wait3A_122 = tpu.memref_squeeze %dma_wait3A_121 : memref<1x128x64xf32, #tpu.memory_space<vmem>> -> memref<128x64xf32, #tpu.memory_space<vmem>>
    tpu.wait_dma2 semaphore(%arg17 : memref<!tpu.dma_semaphore, #tpu.memory_space<semaphore_mem>>) src(%dma_wait3A_122 : memref<128x64xf32, #tpu.memory_space<vmem>>) dst(%dma_wait3A_118 : memref<128x64xf32, #tpu.memory_space<hbm>>)
    %add3A_123 = arith.constant 24960 : i32
    %add3A_124 = arith.addi %mul3A_2, %add3A_123 : i32
    %dma_wait3A_125 = arith.constant 3 : i32
    %dma_wait3A_126 = arith.constant 0 : i32
    %dma_wait3A_127 = arith.constant 0 : i32
    %dma_wait3A_128 = tpu.memref_slice %arg6[%dma_wait3A_125, %dma_wait3A_126, %dma_wait3A_127] : memref<8x128x64xf32, #tpu.memory_space<vmem>> -> memref<1x128x64xf32, #tpu.memory_space<vmem>>
    %dma_wait3A_129 = tpu.memref_squeeze %dma_wait3A_128 : memref<1x128x64xf32, #tpu.memory_space<vmem>> -> memref<128x64xf32, #tpu.memory_space<vmem>>
    %dma_wait3A_130 = arith.constant 0 : i32
    %dma_wait3A_131 = tpu.memref_slice %arg4[%add3A_124, %dma_wait3A_130] : memref<819200x128xf32, #tpu.memory_space<hbm>> -> memref<128x64xf32, #tpu.memory_space<hbm>>
    %dma_wait3A_132 = arith.constant 0 : i32
    %dma_wait3A_133 = tpu.memref_slice %arg4[%add3A_124, %dma_wait3A_132] : memref<819200x128xf32, #tpu.memory_space<hbm>> -> memref<128x64xf32, #tpu.memory_space<hbm>>
    %dma_wait3A_134 = arith.constant 0 : i32
    %dma_wait3A_135 = arith.constant 0 : i32
    %dma_wait3A_136 = tpu.memref_slice %arg6[%dma_wait3A_125, %dma_wait3A_134, %dma_wait3A_135] : memref<8x128x64xf32, #tpu.memory_space<vmem>> -> memref<1x128x64xf32, #tpu.memory_space<vmem>>
    %dma_wait3A_137 = tpu.memref_squeeze %dma_wait3A_136 : memref<1x128x64xf32, #tpu.memory_space<vmem>> -> memref<128x64xf32, #tpu.memory_space<vmem>>
    tpu.wait_dma2 semaphore(%arg18 : memref<!tpu.dma_semaphore, #tpu.memory_space<semaphore_mem>>) src(%dma_wait3A_137 : memref<128x64xf32, #tpu.memory_space<vmem>>) dst(%dma_wait3A_133 : memref<128x64xf32, #tpu.memory_space<hbm>>)
    %add3A_138 = arith.constant 25088 : i32
    %add3A_139 = arith.addi %mul3A_2, %add3A_138 : i32
    %dma_wait3A_140 = arith.constant 4 : i32
    %dma_wait3A_141 = arith.constant 0 : i32
    %dma_wait3A_142 = arith.constant 0 : i32
    %dma_wait3A_143 = tpu.memref_slice %arg6[%dma_wait3A_140, %dma_wait3A_141, %dma_wait3A_142] : memref<8x128x64xf32, #tpu.memory_space<vmem>> -> memref<1x128x64xf32, #tpu.memory_space<vmem>>
    %dma_wait3A_144 = tpu.memref_squeeze %dma_wait3A_143 : memref<1x128x64xf32, #tpu.memory_space<vmem>> -> memref<128x64xf32, #tpu.memory_space<vmem>>
    %dma_wait3A_145 = arith.constant 0 : i32
    %dma_wait3A_146 = tpu.memref_slice %arg4[%add3A_139, %dma_wait3A_145] : memref<819200x128xf32, #tpu.memory_space<hbm>> -> memref<128x64xf32, #tpu.memory_space<hbm>>
    %dma_wait3A_147 = arith.constant 0 : i32
    %dma_wait3A_148 = tpu.memref_slice %arg4[%add3A_139, %dma_wait3A_147] : memref<819200x128xf32, #tpu.memory_space<hbm>> -> memref<128x64xf32, #tpu.memory_space<hbm>>
    %dma_wait3A_149 = arith.constant 0 : i32
    %dma_wait3A_150 = arith.constant 0 : i32
    %dma_wait3A_151 = tpu.memref_slice %arg6[%dma_wait3A_140, %dma_wait3A_149, %dma_wait3A_150] : memref<8x128x64xf32, #tpu.memory_space<vmem>> -> memref<1x128x64xf32, #tpu.memory_space<vmem>>
    %dma_wait3A_152 = tpu.memref_squeeze %dma_wait3A_151 : memref<1x128x64xf32, #tpu.memory_space<vmem>> -> memref<128x64xf32, #tpu.memory_space<vmem>>
    tpu.wait_dma2 semaphore(%arg19 : memref<!tpu.dma_semaphore, #tpu.memory_space<semaphore_mem>>) src(%dma_wait3A_152 : memref<128x64xf32, #tpu.memory_space<vmem>>) dst(%dma_wait3A_148 : memref<128x64xf32, #tpu.memory_space<hbm>>)
    %add3A_153 = arith.constant 25216 : i32
    %add3A_154 = arith.addi %mul3A_2, %add3A_153 : i32
    %dma_wait3A_155 = arith.constant 5 : i32
    %dma_wait3A_156 = arith.constant 0 : i32
    %dma_wait3A_157 = arith.constant 0 : i32
    %dma_wait3A_158 = tpu.memref_slice %arg6[%dma_wait3A_155, %dma_wait3A_156, %dma_wait3A_157] : memref<8x128x64xf32, #tpu.memory_space<vmem>> -> memref<1x128x64xf32, #tpu.memory_space<vmem>>
    %dma_wait3A_159 = tpu.memref_squeeze %dma_wait3A_158 : memref<1x128x64xf32, #tpu.memory_space<vmem>> -> memref<128x64xf32, #tpu.memory_space<vmem>>
    %dma_wait3A_160 = arith.constant 0 : i32
    %dma_wait3A_161 = tpu.memref_slice %arg4[%add3A_154, %dma_wait3A_160] : memref<819200x128xf32, #tpu.memory_space<hbm>> -> memref<128x64xf32, #tpu.memory_space<hbm>>
    %dma_wait3A_162 = arith.constant 0 : i32
    %dma_wait3A_163 = tpu.memref_slice %arg4[%add3A_154, %dma_wait3A_162] : memref<819200x128xf32, #tpu.memory_space<hbm>> -> memref<128x64xf32, #tpu.memory_space<hbm>>
    %dma_wait3A_164 = arith.constant 0 : i32
    %dma_wait3A_165 = arith.constant 0 : i32
    %dma_wait3A_166 = tpu.memref_slice %arg6[%dma_wait3A_155, %dma_wait3A_164, %dma_wait3A_165] : memref<8x128x64xf32, #tpu.memory_space<vmem>> -> memref<1x128x64xf32, #tpu.memory_space<vmem>>
    %dma_wait3A_167 = tpu.memref_squeeze %dma_wait3A_166 : memref<1x128x64xf32, #tpu.memory_space<vmem>> -> memref<128x64xf32, #tpu.memory_space<vmem>>
    tpu.wait_dma2 semaphore(%arg20 : memref<!tpu.dma_semaphore, #tpu.memory_space<semaphore_mem>>) src(%dma_wait3A_167 : memref<128x64xf32, #tpu.memory_space<vmem>>) dst(%dma_wait3A_163 : memref<128x64xf32, #tpu.memory_space<hbm>>)
    %add3A_168 = arith.constant 25344 : i32
    %add3A_169 = arith.addi %mul3A_2, %add3A_168 : i32
    %dma_wait3A_170 = arith.constant 6 : i32
    %dma_wait3A_171 = arith.constant 0 : i32
    %dma_wait3A_172 = arith.constant 0 : i32
    %dma_wait3A_173 = tpu.memref_slice %arg6[%dma_wait3A_170, %dma_wait3A_171, %dma_wait3A_172] : memref<8x128x64xf32, #tpu.memory_space<vmem>> -> memref<1x128x64xf32, #tpu.memory_space<vmem>>
    %dma_wait3A_174 = tpu.memref_squeeze %dma_wait3A_173 : memref<1x128x64xf32, #tpu.memory_space<vmem>> -> memref<128x64xf32, #tpu.memory_space<vmem>>
    %dma_wait3A_175 = arith.constant 0 : i32
    %dma_wait3A_176 = tpu.memref_slice %arg4[%add3A_169, %dma_wait3A_175] : memref<819200x128xf32, #tpu.memory_space<hbm>> -> memref<128x64xf32, #tpu.memory_space<hbm>>
    %dma_wait3A_177 = arith.constant 0 : i32
    %dma_wait3A_178 = tpu.memref_slice %arg4[%add3A_169, %dma_wait3A_177] : memref<819200x128xf32, #tpu.memory_space<hbm>> -> memref<128x64xf32, #tpu.memory_space<hbm>>
    %dma_wait3A_179 = arith.constant 0 : i32
    %dma_wait3A_180 = arith.constant 0 : i32
    %dma_wait3A_181 = tpu.memref_slice %arg6[%dma_wait3A_170, %dma_wait3A_179, %dma_wait3A_180] : memref<8x128x64xf32, #tpu.memory_space<vmem>> -> memref<1x128x64xf32, #tpu.memory_space<vmem>>
    %dma_wait3A_182 = tpu.memref_squeeze %dma_wait3A_181 : memref<1x128x64xf32, #tpu.memory_space<vmem>> -> memref<128x64xf32, #tpu.memory_space<vmem>>
    tpu.wait_dma2 semaphore(%arg21 : memref<!tpu.dma_semaphore, #tpu.memory_space<semaphore_mem>>) src(%dma_wait3A_182 : memref<128x64xf32, #tpu.memory_space<vmem>>) dst(%dma_wait3A_178 : memref<128x64xf32, #tpu.memory_space<hbm>>)
    %add3A_183 = arith.constant 25472 : i32
    %add3A_184 = arith.addi %mul3A_2, %add3A_183 : i32
    %dma_wait3A_185 = arith.constant 7 : i32
    %dma_wait3A_186 = arith.constant 0 : i32
    %dma_wait3A_187 = arith.constant 0 : i32
    %dma_wait3A_188 = tpu.memref_slice %arg6[%dma_wait3A_185, %dma_wait3A_186, %dma_wait3A_187] : memref<8x128x64xf32, #tpu.memory_space<vmem>> -> memref<1x128x64xf32, #tpu.memory_space<vmem>>
    %dma_wait3A_189 = tpu.memref_squeeze %dma_wait3A_188 : memref<1x128x64xf32, #tpu.memory_space<vmem>> -> memref<128x64xf32, #tpu.memory_space<vmem>>
    %dma_wait3A_190 = arith.constant 0 : i32
    %dma_wait3A_191 = tpu.memref_slice %arg4[%add3A_184, %dma_wait3A_190] : memref<819200x128xf32, #tpu.memory_space<hbm>> -> memref<128x64xf32, #tpu.memory_space<hbm>>
    %dma_wait3A_192 = arith.constant 0 : i32
    %dma_wait3A_193 = tpu.memref_slice %arg4[%add3A_184, %dma_wait3A_192] : memref<819200x128xf32, #tpu.memory_space<hbm>> -> memref<128x64xf32, #tpu.memory_space<hbm>>
    %dma_wait3A_194 = arith.constant 0 : i32
    %dma_wait3A_195 = arith.constant 0 : i32
    %dma_wait3A_196 = tpu.memref_slice %arg6[%dma_wait3A_185, %dma_wait3A_194, %dma_wait3A_195] : memref<8x128x64xf32, #tpu.memory_space<vmem>> -> memref<1x128x64xf32, #tpu.memory_space<vmem>>
    %dma_wait3A_197 = tpu.memref_squeeze %dma_wait3A_196 : memref<1x128x64xf32, #tpu.memory_space<vmem>> -> memref<128x64xf32, #tpu.memory_space<vmem>>
    tpu.wait_dma2 semaphore(%arg22 : memref<!tpu.dma_semaphore, #tpu.memory_space<semaphore_mem>>) src(%dma_wait3A_197 : memref<128x64xf32, #tpu.memory_space<vmem>>) dst(%dma_wait3A_193 : memref<128x64xf32, #tpu.memory_space<hbm>>)
    return
  }
}

</mosaic_0001>

<sc_bundles>
// kernel: kernel.3.cloned.1.call-start
scs
__scs_entry_jumppad:
0x0: {  	(pc) =	sbr.rel $0x88, $3  }
0x1: {  	(tag) =	ssettag $0x0;
	lr =	simm.s32 $0x1  }
0x2: {  	[smem:$0x3F9F] =	sst lr;
	_ =	strace $0xD0000000  }
0x3: {  	_ = 	snop  }
0x4: {  	_ = 	snop  }
0x5: {  	_ = 	snop  }
0x6: {  	_ = 	snop  }
0x7: {  	_ = 	snop  }
__scs_overlays_trampoline_lowered:
0x8: {  	[smem:$0x3FAE] =	sst s0  }
0x9: {  	[smem:$0x3FAF] =	sst s1  }
0xa: {  	[smem:$0x3FB0] =	sst s2  }
0xb: {  	[smem:$0x3FB1] =	sst s3  }
0xc: {  	[smem:$0x3FB2] =	sst s4  }
0xd: {  	[smem:$0x3FB3] =	sst s5  }
0xe: {  	[smem:$0x3FB4] =	sst s6  }
0xf: {  	[smem:$0x3FB5] =	sst s7  }
0x10: {  	[smem:$0x3FB6] =	sst s8  }
0x11: {  	[smem:$0x3FB7] =	sst s9;
	s0 =	simm.s32 @!p0 $0x0  }
0x12: {  	s1 =	sld [smem:$0x3F9D];
	s0 =	simm.s32 @p0 $0x1  }
0x13: {  	[smem:$0x3FB8] =	sst s0;
	s0 =	simm.s32 @!p1 $0x0  }
0x14: {  	s2 =	sld [smem:$0x3F9C];
	s0 =	simm.s32 @p1 $0x1  }
0x15: {  	[smem:$0x3FB9] =	sst s0;
	s0 =	simm.s32 @!p2 $0x0  }
0x16: {  	s3 =	sld [smem:$0x3FDB];
	s0 =	simm.s32 @p2 $0x1  }
0x17: {  	s4 =	simm.s32 $0x1BF5;
	[smem:$0x3FBB] =	sst s0  }
0x18: {  	s0 =	sld [smem:$0x3F9E];
	_ =	swait.ge [sflag:s4], $0x0  }
0x19: {  	s7 =	sld [smem:$0x3F9F]  }
0x1a: {  	s8 =	sadd.s32 $0xFFFFE003, lr  }
0x1b: {  	s9 =	sadd.s32 $0xFFFFFEF7, lr;
	s5 =	simm.s32 $0xFFFFFFFF;
	p2 =	slt.u32 s8, $0xFFFFF086  }
0x1c: {  	p1 =	slt.u32 s9, $0xF7A;
	s5 =	simm.s32 @!p2 $0x0  }
0x1d: {  	s5 =	simm.s32 @p1 $0x1;
	p0 =	seq.s32 s7, s2  }
0x1e: {  	s7 =	smul.u32 @!p0 $0xF7A, s2;
	p2 =	seq.s32 @!p0 s5, $0x0  }
0x1f: {  	s9 =	smul.u32 $0xF7A, s1;
	s8 =	simm.s32 @!p0 $0x1BF5;
	p2 =	por !p2, p0  }
0x20: {  	[sflag:s8] =	ssyncset.s32 @!p0 $0xFFFFF086;
	s6 =	sadd.s32 @!p0 s3, s7;
	s7 =	simm.s32 @!p0 $0x108  }
0x21: {  	s3 =	sadd.s32 s3, s9;
	s6 =	sadd.s32 @!p0 $0x88, s6;
	s7 =	simm.s32 @p2 $0x1082  }
0x22: {  	[simem:s7], [sflag:s8] =	dma.local @!p0 [hbm:s6], $0xF7A  }
0x23: {  	s9 =	sor.u32 $0xD0000000, s2;
	s6 =	simm.s32 $0x108;
	_ =	swait.ge @!p0 [sflag:s8], $0x0  }
0x24: {  	s3 =	sadd.s32 $0x88, s3;
	s6 =	simm.s32 @!p1 $0x1082;
	[sflag:s4] =	ssyncset.s32 $0xFFFFF086  }
0x25: {  	[simem:s6], [sflag:s4] =	dma.local [hbm:s3], $0xF7A  }
0x26: {  	[smem:$0x3F9F] =	sst s1;
	(tag) =	ssettag s2;
	_ =	strace s9  }
0x27: {  	s1 =	sld [smem:$0x3FAF]  }
0x28: {  	s2 =	sld [smem:$0x3FB0]  }
0x29: {  	s4 =	sld [smem:$0x3FB2]  }
0x2a: {  	p0 =	seq.s32 s5, $0x0;
	s5 =	sld [smem:$0x3FB3]  }
0x2b: {  	s6 =	sld [smem:$0x3FB4]  }
0x2c: {  	s7 =	sld [smem:$0x3FB5]  }
0x2d: {  	s3 =	simm.s32 $0x108;
	s8 =	sld [smem:$0x3FB6]  }
0x2e: {  	s3 =	simm.s32 @!p0 $0x1082;
	s9 =	sld [smem:$0x3FB7]  }
0x2f: {  	lr =	sadd.s32 s0, s3;
	s0 =	sld [smem:$0x3FAE]  }
0x30: {  	s3 =	sld [smem:$0x3FB1]  }
0x31: {  	[smem:$0x3FBA] =	sst s10  }
0x32: {  	s10 =	sld [smem:$0x3FB8];
	_ =	sdelay $0x3  }
0x33: {  	p0 =	seq.s32 s10, $0x1;
	s10 =	sld [smem:$0x3FBA];
	_ =	sdelay $0x3  }
0x34: {  	[smem:$0x3FBA] =	sst s10  }
0x35: {  	s10 =	sld [smem:$0x3FB9];
	_ =	sdelay $0x3  }
0x36: {  	p1 =	seq.s32 s10, $0x1;
	s10 =	sld [smem:$0x3FBA];
	_ =	sdelay $0x3  }
0x37: {  	[smem:$0x3FBA] =	sst s10  }
0x38: {  	s10 =	sld [smem:$0x3FBB]  }
0x39: {  	_ = 	snop;
	(pc) =	sbr.ind lr, $3  }
0x3a: {  	_ = 	snop  }
0x3b: {  	_ = 	snop  }
0x3c: {  	p2 =	seq.s32 s10, $0x1;
	s10 =	sld [smem:$0x3FBA]  }
0x3d: {  	_ =	shalt  }
0x3e: {  	_ =	shalt  }
0x3f: {  	_ =	shalt  }
0x40: {  	_ =	shalt  }
0x41: {  	_ =	shalt  }
0x42: {  	_ =	shalt  }
0x43: {  	_ =	shalt  }
0x44: {  	_ =	shalt  }
0x45: {  	_ =	shalt  }
0x46: {  	_ =	shalt  }
0x47: {  	_ =	shalt  }
0x48: {  	_ =	shalt  }
0x49: {  	_ =	shalt  }
0x4a: {  	_ =	shalt  }
0x4b: {  	_ =	shalt  }
0x4c: {  	_ =	shalt  }
0x4d: {  	_ =	shalt  }
0x4e: {  	_ =	shalt  }
0x4f: {  	_ =	shalt  }
0x50: {  	_ =	shalt  }
0x51: {  	_ =	shalt  }
0x52: {  	_ =	shalt  }
0x53: {  	_ =	shalt  }
0x54: {  	_ =	shalt  }
0x55: {  	_ =	shalt  }
0x56: {  	_ =	shalt  }
0x57: {  	_ =	shalt  }
0x58: {  	_ =	shalt  }
0x59: {  	_ =	shalt  }
0x5a: {  	_ =	shalt  }
0x5b: {  	_ =	shalt  }
0x5c: {  	_ =	shalt  }
0x5d: {  	_ =	shalt  }
0x5e: {  	_ =	shalt  }
0x5f: {  	_ =	shalt  }
0x60: {  	_ =	shalt  }
0x61: {  	_ =	shalt  }
0x62: {  	_ =	shalt  }
0x63: {  	_ =	shalt  }
0x64: {  	_ =	shalt  }
0x65: {  	_ =	shalt  }
0x66: {  	_ =	shalt  }
0x67: {  	_ =	shalt  }
0x68: {  	_ =	shalt  }
0x69: {  	_ =	shalt  }
0x6a: {  	_ =	shalt  }
0x6b: {  	_ =	shalt  }
0x6c: {  	_ =	shalt  }
0x6d: {  	_ =	shalt  }
0x6e: {  	_ =	shalt  }
0x6f: {  	_ =	shalt  }
0x70: {  	_ =	shalt  }
0x71: {  	_ =	shalt  }
0x72: {  	_ =	shalt  }
0x73: {  	_ =	shalt  }
0x74: {  	_ =	shalt  }
0x75: {  	_ =	shalt  }
0x76: {  	_ =	shalt  }
0x77: {  	_ =	shalt  }
0x78: {  	_ =	shalt  }
0x79: {  	_ =	shalt  }
0x7a: {  	_ =	shalt  }
0x7b: {  	_ =	shalt  }
0x7c: {  	_ =	shalt  }
0x7d: {  	_ =	shalt  }
0x7e: {  	_ =	shalt  }
0x7f: {  	_ =	shalt  }
0x80: {  	_ =	shalt  }
0x81: {  	_ =	shalt  }
0x82: {  	_ =	shalt  }
0x83: {  	_ =	shalt  }
0x84: {  	_ =	shalt  }
0x85: {  	_ =	shalt  }
0x86: {  	_ =	shalt  }
0x87: {  	_ =	shalt  }
.Lfunc_end0:
.L_simem_size_0:
called_computation.1_lowered:
.L_overlay_start_0:
0x88: {  	s2 =	sld [smem:$0x3FD9]  }
0x89: {  	s3 =	sld [smem:$0x3FFE];
	_ =	sdelay $0x1  }
0x8a: {  	s1 =	srdreg.scid  }
0x8b: {  	s0 =	sand.u32 $0x1, s1  }
0x8c: {  	s14 =	sshll.u32 s0, $0xA;
	s2 =	sadd.s32 s3, s2  }
0x8d: {  	s2 =	sadd.s32 s2, s14  }
0x8e: {  	[smem:$0x3FC6] =	sst s2  }
0x8f: {  	_ = 	snop  }
0x90: {  	s2 =	sld [smem:$0x3FD0];
	_ =	sdelay $0x2  }
0x91: {  	s15 =	simm.s32 $0xA;
	s4 =	simm.s32 $0x10  }
0x92: {  	[smem:s4], [sflag:s15] =	dma.local [hbm:s2], $0x1  }
0x93: {  	_ =	swait.eq [sflag:s15], $0x1  }
0x94: {  	[sflag:s15] =	ssyncset.done $0x0  }
0x95: {  	[sflag:s15] =	ssyncadd.s32 $0xFFFFFFFF  }
0x96: {  	s16 =	sld [smem:$0x10];
	(tm) =	ssettm $0x1  }
0x97: {  	s17 =	sld [smem:$0x3FFB];
	_ =	sdelay $0x3  }
0x98: {  	_ =	strace s17  }
0x99: {  	s3 =	sld [smem:$0x3FFC];
	_ =	sdelay $0x3  }
0x9a: {  	_ =	strace s3  }
0x9b: {  	s3 =	sld [smem:$0x3FFD];
	_ =	sdelay $0x3  }
0x9c: {  	_ =	strace s3  }
0x9d: {  	_ =	strace $0x8FFFFFFF  }
0x9e: {  	s18 =	sld [smem:$0x3FDB];
	_ =	sdelay $0x1  }
0x9f: {  	s19 =	simm.s32 $_scs_section_size  }
0xa0: {  	s5 =	simm.s32 $_size__tile_overlayer_lowered;
	s6 =	simm.s32 $_tile_overlayer_lowered  }
0xa1: {  	s22 =	simm.s32 $0x1BFF;
	s21 =	sshll.u32 s6, $0x1;
	s3 =	sadd.s32 s19, s18  }
0xa2: {  	s7 =	simm.s32 $0x0;
	s20 =	sshll.u32 s5, $0x1;
	s5 =	sadd.s32 s21, s3  }
0xa3: {  	[timem:s7], [sflag:s22] =	dma.local [hbm:s5], s20  }
0xa4: {  	_ =	swait.ge [sflag:s22], s20  }
0xa5: {  	s4 =	ssub.s32 $0x0, s20;
	[sflag:s22] =	ssyncset.done $0x0  }
0xa6: {  	[sflag:s22] =	ssyncadd.s32 s4;
	_ =	sdelay $0x1  }
0xa7: {  	s23 =	simm.s32 $0x1B8B  }
0xa8: {  	_ =	swait.ge [sflag:s23], $0x1  }
0xa9: {  	[sflag:s23] =	ssyncset.done $0x0  }
0xaa: {  	s25 =	simm.s32 $0x1B8E;
	s24 =	sld [smem:$0x3FFE];
	[sflag:s23] =	ssyncadd.s32 $0xFFFFFFFF  }
0xab: {  	s26 =	simm.s32 $execute0_lowered;
	[smem:$0x3FD2] =	sst s25  }
0xac: {  	s5 =	sshll.u32 s26, $0x1;
	_ =	strace $0x80000046;
	[dreg:$0x1] =	wrdreg $0xFFFFFFFF  }
0xad: {  	s28 =	simm.s32 $_size_execute0_lowered;
	s3 =	sadd.s32 s3, s5;
	[dreg:$0x0] =	wrdreg $0x0  }
0xae: {  	s5 =	sshll.u32 s28, $0x1;
	[dreg:$0x2] =	wrdreg s3  }
0xaf: {  	[dreg:$0x3] =	wrdreg s5  }
0xb0: {  	[dreg:$0x4] =	wrdreg $0xC0  }
0xb1: {  	_ =	task [dreg:s7], $0x5FFFF  }
0xb2: {  	[dreg:$0x1] =	wrdreg $0xFFFFFFFF  }
0xb3: {  	[dreg:$0x0] =	wrdreg $0x60  }
0xb4: {  	[dreg:$0x2] =	wrdreg s16  }
0xb5: {  	[dreg:$0x3] =	wrdreg s24  }
0xb6: {  	[dreg:$0x4] =	wrdreg $0x9  }
0xb7: {  	_ =	task.clear_ibuf [dreg:s7], $0x5FFFF;
	_ =	strace $0x90000046  }
0xb8: {  	s29 =	simm.s32 $0x9;
	_ =	strace $0x80000048  }
0xb9: {  	_ =	swait.ge [sflag:s29], $0x1  }
0xba: {  	[sflag:s29] =	ssyncadd.s32 $0xFFFFFFFF  }
0xbb: {  	_ =	strace $0x90000048  }
0xbc: {  	_ =	sfence  }
0xbd: {  	s30 =	sld [smem:$0x0];
	_ =	sdelay $0x2  }
0xbe: {  	s31 =	sshll.u32 s1, $0xD;
	s1 =	sshrl.u32 s1, $0x2  }
0xbf: {  	s3 =	sand.u32 $0x4000, s31;
	s1 =	sadd.s32 s1, s30  }
0xc0: {  	s0 =	sor.u32 s3, s0;
	s1 =	sshll.u32 s1, $0x11  }
0xc1: {  	s0 =	sor.u32 s1, s0  }
0xc2: {  	s0 =	sadd.s32 $0x8F2B, s0  }
0xc3: {  	[sflag:s0] =	ssyncadd.remote.s32 $0x1  }
0xc4: {  	_ =	sfence.sel $0xFFFF  }
0xc5: {  	[dreg:$0x0] =	wrdreg $0xFFFFFFFF;
	(pc) =	sbr.abs _section_cstart, $3  }
0xc6: {  	[dreg:$0x1] =	wrdreg $0xFFFFFFFF  }
0xc7: {  	_ =	task.clear_ibuf [dreg:s7], $0x2FFFF;
	_ =	strace $0x9FFFFFFF  }
0xc8: {  	(tm) =	ssettm $0x7FFFFFFF  }
0xc9: {  	_ =	shalt  }
tec
execute0_lowered:
.L_overlay_start_1:
0x0: {  	(tag) =	ssettag $0x1  }
0x1: {  	s0 =	rddreg [dreg:$0x0];
	s1 =	srdreg.scid  }
0x2: {  	s6 =	stileid.u32;
	s2 =	rddreg [dreg:$0x1];
	s4 =	simm.s32 $0x0  }
0x3: {  	s16 =	simm.s32 $0x80;
	s28 =	simm.s32 $0x1;
	s29 =	simm.s32 $0x40  }
0x4: {  	s30 =	simm.s32 $0x12400;
	s31 =	simm.s32 $0x2;
	s5 =	smul.u32 $0x640000, s6  }
0x5: {  	s1 =	sand.u32 $0x1, s1;
	s3 =	sshll.u32 s6, $0x1;
	s6 =	smul.u32 $0xC800, s6  }
0x6: {  	s19 =	simm.s32 $0x4;
	s21 =	simm.s32 $0x5;
	s7 =	smul.u32 $0x6400, s1  }
0x7: {  	s3 =	sor.u32 s1, s3;
	s23 =	ssub.s32 $0x2, s1;
	s1 =	smul.u32 $0x320000, s1  }
0x8: {  	s15 =	simm.s32 $0x0;
	[smem:$0x7FF] =	sst s4;
	s22 =	smul.u32 $0x6400, s3  }
0x9: {  	s3 =	sadd.s32 $0xF42E00, s2;
	s2 =	sadd.s32 $0xA00, s2;
	s8 =	sshrl.u32 s23, $0x1  }
0xa: {  	_ =	strace $0x80000047;
	[dreg:$0x3] =	wrdreg s2;
	s2 =	ssub.s32 s23, s8  }
0xb: {  	s24 =	sadd.s32 s7, s6;
	s1 =	sadd.s32 s1, s5;
	s23 =	simm.s32 $0x6  }
0xc: {  	s5 =	simm.s32 $0xE;
	s4 =	sshrl.u32 s22, $0x3;
	s2 =	smax.u32 s2, $0x1  }
0xd: {  	s7 =	sshrl.u32 s1, $0x3;
	s25 =	sor.u32 $0x1C000, s1;
	s26 =	sor.u32 $0x18000, s1  }
0xe: {  	s1 =	simm.s32 $0x14400;
	s0 =	sadd.s32 s0, s4;
	[dreg:$0x5] =	wrdreg s2  }
.Ltmp0:
0xf: {  	s13 =	sshrl.u32 s25, $0x3;
	s14 =	sshrl.u32 s26, $0x3;
	(pc) =	sbr.rel .LBB2_1-.Ltmp0, $4  }
0x10: {  	s26 =	simm.s32 $0x10400;
	s25 =	simm.s32 $0x7;
	s2 =	simm.s32 $0x8  }
0x11: {  	[dreg:$0x4] =	wrdreg s0;
	s0 =	sshll.u32 s24, $0x4;
	s24 =	simm.s32 $0xE400  }
0x12: {  	s8 =	sor.u32 $0x2800, s0;
	s9 =	sor.u32 $0x2000, s0;
	s10 =	sor.u32 $0x1800, s0  }
0x13: {  	s11 =	sor.u32 $0x1000, s0;
	s12 =	sor.u32 $0x800, s0;
	s0 =	simm.s32 $0x3  }
.LBB2_4:
0x14: {  	s4 =	simm.s32 $0x9  }
0x15: {  	_ =	swait.ge [sflag:s4], $0x2000  }
0x16: {  	[sflag:s4] =	ssyncset.done $0x0  }
0x17: {  	s6 =	simm.s32 $0xA;
	[sflag:s4] =	ssyncadd.s32 $0xFFFFE000  }
0x18: {  	_ =	swait.ge [sflag:s6], $0x2000  }
0x19: {  	[sflag:s6] =	ssyncset.done $0x0  }
0x1a: {  	s15 =	simm.s32 $0xB;
	[sflag:s6] =	ssyncadd.s32 $0xFFFFE000  }
0x1b: {  	_ =	swait.ge [sflag:s15], $0x2000  }
0x1c: {  	[sflag:s15] =	ssyncset.done $0x0  }
0x1d: {  	s17 =	simm.s32 $0xC;
	[sflag:s15] =	ssyncadd.s32 $0xFFFFE000  }
0x1e: {  	_ =	swait.ge [sflag:s17], $0x2000  }
0x1f: {  	[sflag:s17] =	ssyncset.done $0x0  }
0x20: {  	s18 =	simm.s32 $0xD;
	[sflag:s17] =	ssyncadd.s32 $0xFFFFE000  }
0x21: {  	_ =	swait.ge [sflag:s18], $0x2000  }
0x22: {  	[sflag:s18] =	ssyncset.done $0x0  }
0x23: {  	[sflag:s18] =	ssyncadd.s32 $0xFFFFE000  }
0x24: {  	_ =	swait.ge [sflag:s5], $0x2000  }
0x25: {  	[sflag:s5] =	ssyncset.done $0x0  }
0x26: {  	s20 =	simm.s32 $0xF;
	[sflag:s5] =	ssyncadd.s32 $0xFFFFE000  }
0x27: {  	_ =	swait.ge [sflag:s20], $0x2000  }
0x28: {  	[sflag:s20] =	ssyncset.done $0x0  }
0x29: {  	s6 =	simm.s32 $0x10;
	[sflag:s20] =	ssyncadd.s32 $0xFFFFE000  }
0x2a: {  	_ =	swait.ge [sflag:s6], $0x2000  }
0x2b: {  	s15 =	rddreg [dreg:$0x6]  }
0x2c: {  	s22 =	rddreg [dreg:$0x5];
	s15 =	sadd.s32 $0x1, s15  }
0x2d: {  	p0 =	sne.s32 s15, s22  }
.Ltmp1:
0x2e: {  	_ = 	snop;
	(pc) =	sbr.rel @!p0 .LBB2_5-.Ltmp1, $3  }
0x2f: {  	_ =	sdelay $0x1  }
0x30: {  	[sflag:s6] =	ssyncset.done $0x0  }
0x31: {  	[sflag:s6] =	ssyncadd.s32 $0xFFFFE000  }
.LBB2_1:
0x32: {  	[dreg:$0x6] =	wrdreg s15  }
0x33: {  	s4 =	simm.s32 $0x0;
	s6 =	rddreg [dreg:$0x4];
	s18 =	simm.s32 $0x11  }
0x34: {  	[tilespmem:s4], [sflag:$0x11] =	stream.linear.gather [hbm4b:s6+s4], $0x6400, $0x38;
	[tilespmem:$0x16400] =	vst v63  }
0x35: {  	_ =	swait.ge [sflag:s18], $0x6400  }
0x36: {  	[sflag:s18] =	ssyncset.done $0x0  }
0x37: {  	s20 =	simm.s32 $0x6400;
	[sflag:s18] =	ssyncadd.s32 $0xFFFF9C00  }
0x38: {  	[tilespmem:s20], [sflag:$0x1] =	stream.indirect.gather [hbm4b:s3+s16], $0x40, s4, s16, $0xb8;
	[tilespmem:$0x16400] =	vst v63  }
0x39: {  	s22 =	simm.s32 $0x8400  }
0x3a: {  	[tilespmem:s22], [sflag:$0x2] =	stream.indirect.gather [hbm4b:s3+s16], $0x40, s16, s16, $0xb8;
	[tilespmem:$0x16400] =	vst v63  }
0x3b: {  	s15 =	simm.s32 $0xA400;
	s6 =	simm.s32 $0x100  }
0x3c: {  	[tilespmem:s15], [sflag:$0x3] =	stream.indirect.gather [hbm4b:s3+s16], $0x40, s6, s16, $0xb8;
	[tilespmem:$0x16400] =	vst v63  }
0x3d: {  	s17 =	simm.s32 $0x180;
	s18 =	simm.s32 $0xC400  }
0x3e: {  	[tilespmem:s18], [sflag:$0x4] =	stream.indirect.gather [hbm4b:s3+s16], $0x40, s17, s16, $0xb8;
	[tilespmem:$0x16400] =	vst v63  }
0x3f: {  	s20 =	simm.s32 $0x200  }
0x40: {  	[tilespmem:s24], [sflag:$0x5] =	stream.indirect.gather [hbm4b:s3+s16], $0x40, s20, s16, $0xb8;
	[tilespmem:$0x16400] =	vst v63  }
0x41: {  	s22 =	simm.s32 $0x280;
	s6 =	rddreg [dreg:$0x3];
	s15 =	simm.s32 $0x0  }
0x42: {  	[tilespmem:s26], [sflag:$0x6] =	stream.indirect.gather [hbm4b:s3+s16], $0x40, s22, s16, $0xb8;
	[tilespmem:$0x16400] =	vst v63  }
.LBB2_2:
0x43: {  	_ =	swait.ge [sflag:s28], $0x2000  }
0x44: {  	s4 =	sadd.s32 s6, s7;
	[sflag:s28] =	ssyncset.done $0x0  }
0x45: {  	s17 =	simm.s32 $0x6400;
	p0 =	seq.s32 s15, $0x0;
	[sflag:s28] =	ssyncadd.s32 $0xFFFFE000  }
0x46: {  	[hbm4b:s4+s29] =	stream.strided.scatter [tilespmem:s17], [sflag:$0x9], $0x2000, s16, s29, $0x38;
	[tilespmem:$0x16400] =	vst v63  }
0x47: {  	s17 =	simm.s32 @!p0 $0xF  }
0x48: {  	_ =	swait.ge @!p0 [sflag:s17], $0x2000  }
0x49: {  	s4 =	sshra.s32 s15, $0x2;
	[sflag:s17] =	ssyncset.done @!p0 $0x0  }
0x4a: {  	s18 =	sadd.s32 $0x300, s4;
	[sflag:s17] =	ssyncadd.s32 @!p0 $0xFFFFE000  }
0x4b: {  	[tilespmem:s30], [sflag:$0x7] =	stream.indirect.gather [hbm4b:s3+s16], $0x40, s18, s16, $0xb8;
	[tilespmem:$0x16400] =	vst v63  }
0x4c: {  	_ =	swait.ge [sflag:s31], $0x2000  }
0x4d: {  	s20 =	sadd.s32 s6, s12;
	[sflag:s31] =	ssyncset.done $0x0  }
0x4e: {  	s17 =	simm.s32 @!p0 $0x10;
	s18 =	simm.s32 $0x8400;
	[sflag:s31] =	ssyncadd.s32 $0xFFFFE000  }
0x4f: {  	[hbm4b:s20+s29] =	stream.strided.scatter [tilespmem:s18], [sflag:$0xA], $0x2000, s16, s29, $0x38;
	[tilespmem:$0x16400] =	vst v63  }
0x50: {  	_ =	swait.ge @!p0 [sflag:s17], $0x2000  }
0x51: {  	[sflag:s17] =	ssyncset.done @!p0 $0x0  }
0x52: {  	s22 =	sadd.s32 $0x380, s4;
	[sflag:s17] =	ssyncadd.s32 @!p0 $0xFFFFE000  }
0x53: {  	[tilespmem:s1], [sflag:$0x8] =	stream.indirect.gather [hbm4b:s3+s16], $0x40, s22, s16, $0xb8;
	[tilespmem:$0x16400] =	vst v63  }
0x54: {  	_ =	swait.ge [sflag:s0], $0x2000  }
0x55: {  	s18 =	sadd.s32 s6, s11;
	p0 =	seq.s32 s15, $0x18000;
	[sflag:s0] =	ssyncset.done $0x0  }
0x56: {  	s20 =	simm.s32 $0xA400;
	s17 =	simm.s32 @!p0 $0x9;
	[sflag:s0] =	ssyncadd.s32 $0xFFFFE000  }
0x57: {  	[hbm4b:s18+s29] =	stream.strided.scatter [tilespmem:s20], [sflag:$0xB], $0x2000, s16, s29, $0x38;
	[tilespmem:$0x16400] =	vst v63  }
0x58: {  	_ =	swait.ge @!p0 [sflag:s17], $0x2000  }
0x59: {  	[sflag:s17] =	ssyncset.done @!p0 $0x0  }
0x5a: {  	[sflag:s17] =	ssyncadd.s32 @!p0 $0xFFFFE000;
	s17 =	sshra.s32 @!p0 s15, $0x2  }
0x5b: {  	s22 =	simm.s32 @!p0 $0x6400;
	s20 =	simm.s32 @!p0 $0x80;
	s18 =	sadd.s32 @!p0 $0x400, s17  }
0x5c: {  	[tilespmem:s22], [sflag:$0x1] =	stream.indirect.gather @!p0 [hbm4b:s3+s20], $0x40, s18, s20, $0xb8;
	[tilespmem:$0x16400] =	vst v63  }
0x5d: {  	_ =	swait.ge [sflag:s19], $0x2000  }
0x5e: {  	[sflag:s19] =	ssyncset.done $0x0  }
0x5f: {  	s18 =	sadd.s32 s6, s10;
	s22 =	simm.s32 $0xC400;
	[sflag:s19] =	ssyncadd.s32 $0xFFFFE000  }
0x60: {  	[hbm4b:s18+s29] =	stream.strided.scatter [tilespmem:s22], [sflag:$0xC], $0x2000, s16, s29, $0x38;
	[tilespmem:$0x16400] =	vst v63  }
0x61: {  	s18 =	simm.s32 @!p0 $0xA  }
0x62: {  	_ =	swait.ge @!p0 [sflag:s18], $0x2000  }
0x63: {  	[sflag:s18] =	ssyncset.done @!p0 $0x0  }
0x64: {  	s22 =	simm.s32 @!p0 $0x8400;
	[sflag:s18] =	ssyncadd.s32 @!p0 $0xFFFFE000;
	s18 =	sadd.s32 @!p0 $0x480, s17  }
0x65: {  	[tilespmem:s22], [sflag:$0x2] =	stream.indirect.gather @!p0 [hbm4b:s3+s20], $0x40, s18, s20, $0xb8;
	[tilespmem:$0x16400] =	vst v63  }
0x66: {  	_ =	swait.ge [sflag:s21], $0x2000  }
0x67: {  	[sflag:s21] =	ssyncset.done $0x0  }
0x68: {  	s22 =	sadd.s32 s6, s9;
	s18 =	simm.s32 @!p0 $0xB;
	[sflag:s21] =	ssyncadd.s32 $0xFFFFE000  }
0x69: {  	[hbm4b:s22+s29] =	stream.strided.scatter [tilespmem:s24], [sflag:$0xD], $0x2000, s16, s29, $0x38;
	[tilespmem:$0x16400] =	vst v63  }
0x6a: {  	_ =	swait.ge @!p0 [sflag:s18], $0x2000  }
0x6b: {  	[sflag:s18] =	ssyncset.done @!p0 $0x0  }
0x6c: {  	s22 =	simm.s32 @!p0 $0xA400;
	[sflag:s18] =	ssyncadd.s32 @!p0 $0xFFFFE000;
	s18 =	sadd.s32 @!p0 $0x500, s17  }
0x6d: {  	[tilespmem:s22], [sflag:$0x3] =	stream.indirect.gather @!p0 [hbm4b:s3+s20], $0x40, s18, s20, $0xb8;
	[tilespmem:$0x16400] =	vst v63  }
0x6e: {  	_ =	swait.ge [sflag:s23], $0x2000  }
0x6f: {  	[sflag:s23] =	ssyncset.done $0x0  }
0x70: {  	s22 =	sadd.s32 s6, s8;
	s18 =	simm.s32 @!p0 $0xC;
	[sflag:s23] =	ssyncadd.s32 $0xFFFFE000  }
0x71: {  	[hbm4b:s22+s29] =	stream.strided.scatter [tilespmem:s26], [sflag:$0xE], $0x2000, s16, s29, $0x38;
	[tilespmem:$0x16400] =	vst v63  }
0x72: {  	_ =	swait.ge @!p0 [sflag:s18], $0x2000  }
0x73: {  	[sflag:s18] =	ssyncset.done @!p0 $0x0  }
0x74: {  	s22 =	simm.s32 @!p0 $0xC400;
	[sflag:s18] =	ssyncadd.s32 @!p0 $0xFFFFE000;
	s18 =	sadd.s32 @!p0 $0x580, s17  }
0x75: {  	[tilespmem:s22], [sflag:$0x4] =	stream.indirect.gather @!p0 [hbm4b:s3+s20], $0x40, s18, s20, $0xb8;
	[tilespmem:$0x16400] =	vst v63  }
0x76: {  	_ =	swait.ge [sflag:s25], $0x2000  }
0x77: {  	[sflag:s25] =	ssyncset.done $0x0  }
0x78: {  	s22 =	sadd.s32 s6, s14;
	s18 =	simm.s32 @!p0 $0xD;
	[sflag:s25] =	ssyncadd.s32 $0xFFFFE000  }
0x79: {  	[hbm4b:s22+s29] =	stream.strided.scatter [tilespmem:s30], [sflag:$0xF], $0x2000, s16, s29, $0x38;
	[tilespmem:$0x16400] =	vst v63  }
0x7a: {  	_ =	swait.ge @!p0 [sflag:s18], $0x2000  }
0x7b: {  	[sflag:s18] =	ssyncset.done @!p0 $0x0  }
0x7c: {  	s17 =	sadd.s32 @!p0 $0x600, s17;
	[sflag:s18] =	ssyncadd.s32 @!p0 $0xFFFFE000;
	s18 =	simm.s32 @!p0 $0xE400  }
0x7d: {  	[tilespmem:s18], [sflag:$0x5] =	stream.indirect.gather @!p0 [hbm4b:s3+s20], $0x40, s17, s20, $0xb8;
	[tilespmem:$0x16400] =	vst v63  }
.Ltmp2:
0x7e: {  	_ = 	snop;
	(pc) =	sbr.rel @p0 .LBB2_4-.Ltmp2, $4  }
0x7f: {  	_ =	swait.ge [sflag:s2], $0x2000  }
0x80: {  	[sflag:s2] =	ssyncset.done $0x0  }
0x81: {  	s22 =	sadd.s32 s6, s13;
	[sflag:s2] =	ssyncadd.s32 $0xFFFFE000  }
0x82: {  	[hbm4b:s22+s29] =	stream.strided.scatter [tilespmem:s1], [sflag:$0x10], $0x2000, s16, s29, $0x38;
	[tilespmem:$0x16400] =	vst v63  }
.Ltmp3:
0x83: {  	(pc) =	sbr.rel .LBB2_2-.Ltmp3, $4  }
0x84: {  	_ =	swait.ge [sflag:s5], $0x2000  }
0x85: {  	s4 =	sadd.s32 $0x680, s4;
	[sflag:s5] =	ssyncset.done $0x0  }
0x86: {  	s15 =	sadd.s32 $0x1000, s15;
	s6 =	sadd.s32 $0x4000, s6;
	[sflag:s5] =	ssyncadd.s32 $0xFFFFE000  }
0x87: {  	[tilespmem:s26], [sflag:$0x6] =	stream.indirect.gather [hbm4b:s3+s16], $0x40, s4, s16, $0xb8;
	[tilespmem:$0x16400] =	vst v63  }
.LBB2_5:
0x88: {  	_ =	sfence.sel $0x180000  }
0x89: {  	[bflag:$0x0] =	sbarrier.arrive $0xFFFF  }
0x8a: {  	_ =	strace $0x90000047  }
0x8b: {  	s0 =	stileid.u32;
	[bflag:$0x2] =	sbarrier.arrive $0xFFFF  }
0x8c: {  	p0 =	sne.s32 s0, $0x0;
	s0 =	rddreg [dreg:$0x2]  }
0x8d: {  	s0 =	sadd.s32 @!p0 $0x100000, s0  }
0x8e: {  	[sflag:s0] =	ssyncadd.tile.s32 @!p0 $0x1;
	_ =	shalt  }
.Lfunc_end2:
_tile_overlayer_lowered:
.L_overlay_start_2:
0x8f: {  	(tag) =	ssettag $0x2  }
0x90: {  	s0 =	rddreg [dreg:$0x0];
	s2 =	stileid.u32  }
0x91: {  	s1 =	rddreg [dreg:$0x1];
	p0 =	sne.s32 s2, $0x0  }
0x92: {  	s3 =	rddreg [dreg:$0x2];
	[bflag:$0x3] =	sbarrier.arrive $0xFFFF;
	s2 =	simm.s32 @!p0 $0x1C11  }
0x93: {  	[timem:s3], [sflag:s2] =	dma.local @!p0 [hbm:s0], s1  }
0x94: {  	s0 =	simm.s32 @!p0 $0x11  }
0x95: {  	_ =	swait.ge @!p0 [sflag:s0], s1  }
0x96: {  	s1 =	ssub.s32 @!p0 $0x0, s1;
	[sflag:s0] =	ssyncset.done @!p0 $0x0  }
0x97: {  	[sflag:s0] =	ssyncadd.s32 @!p0 s1  }
0x98: {  	[bflag:$0x3] =	sbarrier.arrive $0xFFFF  }
0x99: {  	_ =	shalt  }

// kernel: sparse-core-data-format-call.cloned.1.call-start
scs
called_computation_lowered:
.L_overlay_start_0:
0x0: {  	s2 =	sld [smem:$0x3FD9]  }
0x1: {  	s3 =	sld [smem:$0x3FFE];
	_ =	sdelay $0x1  }
0x2: {  	s1 =	srdreg.scid  }
0x3: {  	s0 =	sand.u32 $0x1, s1  }
0x4: {  	s15 =	sshll.u32 s0, $0xA;
	s2 =	sadd.s32 s3, s2  }
0x5: {  	s2 =	sadd.s32 s2, s15  }
0x6: {  	[smem:$0x3FC6] =	sst s2  }
0x7: {  	_ = 	snop  }
0x8: {  	s2 =	sld [smem:$0x3FD0];
	_ =	sdelay $0x2  }
0x9: {  	s16 =	simm.s32 $0xA;
	s4 =	simm.s32 $0x10  }
0xa: {  	[smem:s4], [sflag:s16] =	dma.local [hbm:s2], $0x1  }
0xb: {  	_ =	swait.eq [sflag:s16], $0x1  }
0xc: {  	[sflag:s16] =	ssyncset.done $0x0  }
0xd: {  	[sflag:s16] =	ssyncadd.s32 $0xFFFFFFFF  }
0xe: {  	s17 =	sld [smem:$0x10];
	(tm) =	ssettm $0x1  }
0xf: {  	s18 =	sld [smem:$0x3FFB];
	_ =	sdelay $0x3  }
0x10: {  	_ =	strace s18  }
0x11: {  	s3 =	sld [smem:$0x3FFC];
	_ =	sdelay $0x3  }
0x12: {  	_ =	strace s3  }
0x13: {  	s3 =	sld [smem:$0x3FFD];
	_ =	sdelay $0x3  }
0x14: {  	_ =	strace s3  }
0x15: {  	_ =	strace $0x8FFFFFFF  }
0x16: {  	s19 =	sld [smem:$0x3FDB];
	_ =	sdelay $0x1  }
0x17: {  	s20 =	simm.s32 $_scs_section_size  }
0x18: {  	s5 =	simm.s32 $_size__tile_overlayer_lowered;
	s6 =	simm.s32 $_tile_overlayer_lowered  }
0x19: {  	s23 =	simm.s32 $0x1BFF;
	s22 =	sshll.u32 s6, $0x1;
	s3 =	sadd.s32 s20, s19  }
0x1a: {  	s7 =	simm.s32 $0x0;
	s21 =	sshll.u32 s5, $0x1;
	s5 =	sadd.s32 s22, s3  }
0x1b: {  	[timem:s7], [sflag:s23] =	dma.local [hbm:s5], s21  }
0x1c: {  	_ =	swait.ge [sflag:s23], s21  }
0x1d: {  	s4 =	ssub.s32 $0x0, s21;
	[sflag:s23] =	ssyncset.done $0x0  }
0x1e: {  	[sflag:s23] =	ssyncadd.s32 s4;
	_ =	sdelay $0x1  }
0x1f: {  	s24 =	simm.s32 $0x1B8B  }
0x20: {  	_ =	swait.ge [sflag:s24], $0x1  }
0x21: {  	[sflag:s24] =	ssyncset.done $0x0  }
0x22: {  	s26 =	simm.s32 $0x1B8E;
	s25 =	sld [smem:$0x3FFE];
	[sflag:s24] =	ssyncadd.s32 $0xFFFFFFFF  }
0x23: {  	s27 =	simm.s32 $execute0_lowered;
	[smem:$0x3FD2] =	sst s26  }
0x24: {  	s5 =	sshll.u32 s27, $0x1;
	_ =	strace $0x80000049;
	[dreg:$0x1] =	wrdreg $0xFFFFFFFF  }
0x25: {  	s28 =	simm.s32 $_size_execute0_lowered;
	s3 =	sadd.s32 s3, s5;
	[dreg:$0x0] =	wrdreg $0x0  }
0x26: {  	s5 =	sshll.u32 s28, $0x1;
	[dreg:$0x2] =	wrdreg s3  }
0x27: {  	[dreg:$0x3] =	wrdreg s5  }
0x28: {  	[dreg:$0x4] =	wrdreg $0xC0  }
0x29: {  	_ =	task [dreg:s7], $0x5FFFF  }
0x2a: {  	[dreg:$0x1] =	wrdreg $0xFFFFFFFF  }
0x2b: {  	[dreg:$0x0] =	wrdreg $0x60  }
0x2c: {  	[dreg:$0x2] =	wrdreg s25  }
0x2d: {  	[dreg:$0x3] =	wrdreg s17  }
0x2e: {  	[dreg:$0x4] =	wrdreg $0x9  }
0x2f: {  	_ =	task.clear_ibuf [dreg:s7], $0x5FFFF;
	_ =	strace $0x90000049  }
0x30: {  	s29 =	simm.s32 $0x9;
	_ =	strace $0x8000004B  }
0x31: {  	_ =	swait.ge [sflag:s29], $0x1  }
0x32: {  	[sflag:s29] =	ssyncadd.s32 $0xFFFFFFFF  }
0x33: {  	_ =	strace $0x9000004B  }
0x34: {  	_ =	sfence  }
0x35: {  	s30 =	sld [smem:$0x0];
	_ =	sdelay $0x2  }
0x36: {  	s31 =	sshll.u32 s1, $0xD;
	s1 =	sshrl.u32 s1, $0x2  }
0x37: {  	s3 =	sand.u32 $0x4000, s31;
	s1 =	sadd.s32 s1, s30  }
0x38: {  	s0 =	sor.u32 s3, s0;
	s1 =	sshll.u32 s1, $0x11  }
0x39: {  	s0 =	sor.u32 s1, s0  }
0x3a: {  	s0 =	sadd.s32 $0x8F2B, s0  }
0x3b: {  	[sflag:s0] =	ssyncadd.remote.s32 $0x1  }
0x3c: {  	_ =	sfence.sel $0xFFFF  }
0x3d: {  	[dreg:$0x0] =	wrdreg $0xFFFFFFFF;
	(pc) =	sbr.abs _section_cstart, $3  }
0x3e: {  	[dreg:$0x1] =	wrdreg $0xFFFFFFFF  }
0x3f: {  	_ =	task.clear_ibuf [dreg:s7], $0x2FFFF;
	_ =	strace $0x9FFFFFFF  }
0x40: {  	(tm) =	ssettm $0x7FFFFFFF  }
0x41: {  	_ =	shalt  }
tec
execute0_lowered:
.L_overlay_start_1:
0x0: {  	(tag) =	ssettag $0x1  }
0x1: {  	s0 =	srdreg.scid  }
0x2: {  	s1 =	sshll.u32 s0, $0x4  }
0x3: {  	s0 =	stileid.u32;
	s1 =	sand.u32 $0x10, s1  }
0x4: {  	s1 =	sor.u32 s0, s1  }
0x5: {  	s6 =	rddreg [dreg:$0x0];
	s4 =	simm.s32 $0x1;
	s2 =	sshll.u32 s1, $0x7  }
0x6: {  	s7 =	simm.s32 $0x2;
	s12 =	simm.s32 $0x0;
	s1 =	ssub.s32 $0x1000, s2  }
0x7: {  	s8 =	simm.s32 $0x8000;
	s13 =	simm.s32 $0x0;
	s3 =	sand.u32 $0xF80, s1  }
0x8: {  	s9 =	simm.s32 $0x0;
	s5 =	sshrl.u32 s1, $0xC;
	p0 =	sne.s32 s3, $0x0  }
.Ltmp0:
0x9: {  	s1 =	rddreg [dreg:$0x2];
	s4 =	simm.s32 @!p0 $0x0;
	(pc) =	sbr.rel .LBB1_1-.Ltmp0, $4  }
0xa: {  	s11 =	simm.s32 $0x0;
	s3 =	rddreg [dreg:$0x1];
	s5 =	sadd.s32 s4, s5  }
0xb: {  	_ =	strace $0x8000004A;
	s4 =	simm.s32 $0x1;
	s5 =	smul.u32 $0xC8, s5  }
0xc: {  	s6 =	sadd.s32 $0xA00, s6;
	s10 =	smov.u32 s2;
	[sflag:s4] =	ssyncpa.u1 $0x0  }
0xd: {  	p0 =	por $0x0, $0x0;
	[sflag:s7] =	ssyncpa.u1 $0x0;
	s7 =	sor.u32 $0x1, s5  }
.LBB1_4:
0xe: {  	s16 =	sshll.u32 s13, $0x3;
	s17 =	sand.u32 $0x78, s13  }
0xf: {  	s30 =	sand.u32 $0x7E00, s13;
	s12 =	sshll.u32 s12, $0xF;
	s16 =	sand.u32 $0xC00, s16  }
0x10: {  	[tilespmem:s15+$0x810 ss:$0x81] =	vst.msk $0xffff, v2;
	s31 =	sand.u32 $0x7, s13;
	s16 =	sor.u32 s17, s16;
	s17 =	sadd.s32 s3, s30  }
0x11: {  	[tilespmem:s15+$0x1020 ss:$0x81] =	vst.msk $0xffff, v0;
	s13 =	sshll.u32 s31, $0x12;
	s12 =	sadd.s32 s12, s17;
	s16 =	sshrl.u32 s16, $0x3  }
0x12: {  	[tilespmem:s15+$0x0 ss:$0x81] =	vst.msk $0xffff, v1;
	s13 =	sor.u32 $0x400, s13;
	s12 =	sadd.s32 s16, s12  }
0x13: {  	[hbm4b:s12+s13] =	stream.strided.scatter [tilespmem:s14], [sflag:$0x2], $0x2000, s8, s13, $0x20;
	[tilespmem:$0x8080] =	vst v63  }
.LBB1_5:
0x14: {  	s14 =	sadd.s32 $0x1, s9  }
0x15: {  	s12 =	sadd.s32 $0x1000, s10;
	s16 =	smov.u32 s10;
	p2 =	sgt.s32 s14, $0xC7  }
0x16: {  	s16 =	smov.u32 @p2 s12  }
0x17: {  	s14 =	simm.s32 @p2 $0x0;
	p2 =	sgt.s32 s16, $0xFFF  }
0x18: {  	s16 =	smov.u32 @p2 s2;
	p2 =	sne.s32 s11, s7  }
.Ltmp1:
0x19: {  	p1 =	slt.u32 s11, $0x2;
	(pc) =	sbr.rel @!p2 .LBB1_6-.Ltmp1, $4  }
0x1a: {  	s15 =	simm.s32 @!p1 $0x2  }
0x1b: {  	s13 =	smov.u32 s10;
	p0 =	por !p0, !p0;
	_ =	swait.ge @!p1 [sflag:s15], $0x2000  }
0x1c: {  	s12 =	smov.u32 s9;
	[sflag:s15] =	ssyncset.done @!p1 $0x0;
	s9 =	smov.u32 s14  }
0x1d: {  	s11 =	sadd.s32 $0x1, s11;
	[sflag:s15] =	ssyncadd.s32 @!p1 $0xFFFFE000;
	s10 =	smov.u32 s16  }
.LBB1_1:
0x1e: {  	p1 =	sge.u32 s11, s5  }
0x1f: {  	s14 =	sand.u32 @!p1 $0x1FFFFFF, s9  }
0x20: {  	s15 =	smulhi.u32 @!p1 $0x147AE15, s14;
	_ =	sdelay $0x1  }
0x21: {  	s15 =	smul.u32 @!p1 $0xC8, s15  }
0x22: {  	s16 =	sxor.u32 @!p1 $0xFFFFFFFF, s11;
	s17 =	smul.u32 @!p1 $0xC80, s10  }
0x23: {  	s31 =	sadd.s32 $0xFFFFFFFF, s11;
	s16 =	sshll.u32 @!p1 s16, $0xD;
	s14 =	ssub.s32 @!p1 s14, s15  }
0x24: {  	s15 =	sand.u32 @!p1 $0x2000, s16;
	s16 =	sadd.s32 @!p1 s6, s17;
	s14 =	sshll.u32 @!p1 s14, $0x4  }
0x25: {  	s17 =	simm.s32 @!p1 $0x6400;
	s14 =	sadd.s32 @!p1 s14, s16;
	s16 =	simm.s32 @!p1 $0x40  }
0x26: {  	[tilespmem:s15], [sflag:$0x1] =	stream.strided.gather @!p1 [hbm4b:s14+s16], $0x2000, s17, s16, $0x38;
	[tilespmem:$0x8080] =	vst v63  }
0x27: {  	p1 =	sge.u32 s31, s5  }
.Ltmp2:
0x28: {  	_ = 	snop;
	(pc) =	sbr.rel @p1 .LBB1_5-.Ltmp2, $1  }
0x29: {  	_ =	sdelay $0x3  }
0x2a: {  	s14 =	simm.s32 $0x1  }
0x2b: {  	_ =	swait.ge [sflag:s4], $0x2000;
	s14 =	simm.s32 @!p0 $0x0  }
0x2c: {  	[sflag:s4] =	ssyncset.done $0x0;
	s15 =	sshll.u32 s14, $0xD  }
0x2d: {  	[sflag:s4] =	ssyncadd.s32 $0xFFFFE000;
	s18 =	sor.u32 $0x20, s15  }
0x2e: {  	s14 =	smul.u32 $0x8100, s14;
	v3 =	vld [tilespmem:s18+$0x10]  }
0x2f: {  	s30 =	sand.u32 $0x1, s11;
	v2 =	vld [tilespmem:s18+$0xFFFFFFF0]  }
0x30: {  	s15 =	smul.u32 $0x8100, s30;
	s14 =	sshrl.u32 s14, $0x2;
	v0 =	vld [tilespmem:s18+$0x0]  }
0x31: {  	v1 =	vld [tilespmem:s18+$0xFFFFFFE0];
	s16 =	sor.u32 $0x4000, s14  }
0x32: {  	s31 =	sshrl.u32 s15, $0x2;
	s15 =	sadd.s32 $0x0, s16  }
0x33: {  	s17 =	simm.s32 $0x4;
	s18 =	sadd.s32 $0x40, s18;
	s14 =	sor.u32 $0x4000, s31;
	[tilespmem:s15+$0x1830 ss:$0x81] =	vst.msk $0xffff, v3  }
.LBB1_3:
0x34: {  	v3 =	vld [tilespmem:s18+$0x10];
	p1 =	sne.s32 s17, $0x1FC;
	[tilespmem:s15+$0x810 ss:$0x81] =	vst.msk $0xffff, v2;
	s19 =	smov.u32 s17;
	s17 =	sadd.s32 $0x4, s17  }
.Ltmp3:
0x35: {  	v2 =	vld [tilespmem:s18+$0xFFFFFFF0];
	[tilespmem:s15+$0x1020 ss:$0x81] =	vst.msk $0xffff, v0;
	(pc) =	sbr.rel @p1 .LBB1_3-.Ltmp3, $4  }
0x36: {  	v0 =	vld [tilespmem:s18+$0x0];
	[tilespmem:s15+$0x0 ss:$0x81] =	vst.msk $0xffff, v1  }
0x37: {  	s15 =	sshra.s32 s19, $0x2;
	v1 =	vld [tilespmem:s18+$0xFFFFFFE0]  }
0x38: {  	s15 =	sadd.s32 s15, s16  }
0x39: {  	s18 =	sadd.s32 $0x40, s18;
	[tilespmem:s15+$0x1830 ss:$0x81] =	vst.msk $0xffff, v3  }
.Ltmp4:
0x3a: {  	_ = 	snop;
	(pc) =	sbr.rel .LBB1_4-.Ltmp4, $1  }
0x3b: {  	_ =	sdelay $0x3  }
.LBB1_6:
0x3c: {  	_ =	sfence.sel $0x180000  }
0x3d: {  	s2 =	simm.s32 $0x1;
	[bflag:$0x0] =	sbarrier.arrive $0xFFFF  }
0x3e: {  	s31 =	simm.s32 $0x2;
	[sflag:s2] =	ssyncpa.u1 $0x1  }
0x3f: {  	[sflag:s31] =	ssyncpa.u1 $0x1  }
0x40: {  	p0 =	sne.s32 s0, $0x0;
	_ =	strace $0x9000004A  }
0x41: {  	s0 =	sadd.s32 @!p0 $0x100000, s1;
	[bflag:$0x2] =	sbarrier.arrive $0xFFFF  }
0x42: {  	[sflag:s0] =	ssyncadd.tile.s32 @!p0 $0x1;
	_ =	shalt  }
.Lfunc_end1:
_tile_overlayer_lowered:
.L_overlay_start_2:
0x43: {  	(tag) =	ssettag $0x2  }
0x44: {  	s0 =	rddreg [dreg:$0x0];
	s2 =	stileid.u32  }
0x45: {  	s1 =	rddreg [dreg:$0x1];
	p0 =	sne.s32 s2, $0x0  }
0x46: {  	s3 =	rddreg [dreg:$0x2];
	[bflag:$0x3] =	sbarrier.arrive $0xFFFF;
	s2 =	simm.s32 @!p0 $0x1C01  }
0x47: {  	[timem:s3], [sflag:s2] =	dma.local @!p0 [hbm:s0], s1  }
0x48: {  	s0 =	simm.s32 @!p0 $0x1  }
0x49: {  	_ =	swait.ge @!p0 [sflag:s0], s1  }
0x4a: {  	s1 =	ssub.s32 @!p0 $0x0, s1;
	[sflag:s0] =	ssyncset.done @!p0 $0x0  }
0x4b: {  	[sflag:s0] =	ssyncadd.s32 @!p0 s1  }
0x4c: {  	[bflag:$0x3] =	sbarrier.arrive $0xFFFF  }
0x4d: {  	_ =	shalt  }

</sc_bundles>
